<compile_context>
chip_gen: v7x
topology: tpu7x:2x2x1
jax: 0.10.2.dev20260603
libtpu: 0.0.44.dev20260713+nightly
codegen_flags: <defaults>
</compile_context>

<pallas_src>
import jax
import jax.numpy as jnp
from jax import lax
from jax.experimental import pallas as pl
from jax.experimental.pallas import tpu as pltpu
from jax.experimental.pallas import tpu_sc as plsc

B, N, M = 8, 2048, 2048
BR = 512
L = 16
TR = 16
R = B * N
NT = R // TR
NW = 32
TPW = NT // NW
TILES_PER_BATCH = N // TR
VPR = M // L



def _sc_zero_body(nrow_hbm, out_hbm, nrow_v, zbuf):
    wid = lax.axis_index("s") * 2 + lax.axis_index("c")

    pltpu.sync_copy(nrow_hbm, nrow_v)
    nrowf = nrow_v[...].astype(jnp.float32)
    lanes = jnp.arange(L, dtype=jnp.int32)

    z = jnp.zeros((L,), jnp.float32)

    def zrow(r, c):
        for k in range(VPR):
            zbuf[r, pl.ds(k * L, L)] = z
        return c

    lax.fori_loop(0, TR, zrow, jnp.int32(0))

    def tile_step(i, c):
        t = wid + NW * i
        b = t // TILES_PER_BATCH
        start = (t - b * TILES_PER_BATCH) * TR
        nrow_b = jnp.sum(jnp.where(lanes == b, nrowf, 0.0)).astype(jnp.int32)
        covered = BR * jnp.maximum((nrow_b + BR - 1) // BR, 1)

        @pl.when(start >= covered)
        def _():
            pltpu.sync_copy(zbuf, out_hbm.at[pl.ds(t * TR, TR)])

        return c

    lax.fori_loop(0, TPW, tile_step, jnp.int32(0))


def _sc_zero_fill(nrow16):
    mesh = plsc.VectorSubcoreMesh(core_axis_name="c", subcore_axis_name="s")
    return pl.kernel(
        _sc_zero_body,
        mesh=mesh,
        compiler_params=pltpu.CompilerParams(needs_layout_passes=False),
        out_type=jax.ShapeDtypeStruct((R, M), jnp.float32),
        scratch_types=[
            pltpu.VMEM((L,), jnp.int32),
            pltpu.VMEM((TR, M), jnp.float32),
        ],
    )(nrow16)



def _tc_body(nrow_ref, s_ref, o0_ref, o_ref):
    del o0_ref
    j = pl.program_id(1)
    nrow = nrow_ref[pl.program_id(0)]
    start = j * BR

    @pl.when((nrow == 0) & (j == 0))
    def _zero():
        o_ref[...] = jnp.zeros_like(o_ref)

    @pl.when(start < nrow)
    def _compute():
        x = s_ref[0]
        ss = jnp.sum(x * x, axis=-1, keepdims=True)
        r = 1.0 / jnp.maximum(jnp.sqrt(ss), 1e-12)
        e = jnp.exp(x * r)
        se = jnp.sum(e, axis=-1, keepdims=True)
        out = e / se

        @pl.when(start + BR > nrow)
        def _mask():
            rows = jax.lax.broadcasted_iota(jnp.int32, (BR, M), 0) + start
            o_ref[0] = jnp.where(rows < nrow, out, 0.0)

        @pl.when(start + BR <= nrow)
        def _full():
            o_ref[0] = out


def _clamped_index(b, j, nrow_ref):
    nrow = nrow_ref[b]
    last_active = jnp.maximum((nrow + BR - 1) // BR - 1, 0)
    return b, jnp.minimum(j, last_active), 0


def kernel(s, nrow_gt):
    nrow = nrow_gt.astype(jnp.int32)
    nrow16 = jnp.zeros((L,), jnp.int32).at[:B].set(nrow)
    out0 = _sc_zero_fill(nrow16).reshape(B, N, M)

    grid_spec = pltpu.PrefetchScalarGridSpec(
        num_scalar_prefetch=1,
        grid=(B, N // BR),
        in_specs=[
            pl.BlockSpec((1, BR, M), _clamped_index),
            pl.BlockSpec(memory_space=pltpu.MemorySpace.HBM),
        ],
        out_specs=pl.BlockSpec((1, BR, M), _clamped_index),
    )
    return pl.pallas_call(
        _tc_body,
        grid_spec=grid_spec,
        out_shape=jax.ShapeDtypeStruct((B, N, M), jnp.float32),
        input_output_aliases={2: 0},
    )(nrow, s, out0)

# --- scband reference (transcript-rebuilt; emitter-appended) ---
"""Pipeline reference for scband-full-pro-85813446574636 (READ-ONLY COPY).

The authoritative reference and input builder live on the scoring server;
editing this copy changes nothing except your own understanding.
"""

import jax, jax.numpy as jnp
import numpy as np

B, N, M = 8, 2048, 2048

def setup_inputs(seed: int = 0) -> dict:
    key = jax.random.key(seed)
    k1, k2 = jax.random.split(key)
    s = jax.random.normal(k1, (B, N, M), dtype=jnp.float32)
    nrow_gt = jax.random.randint(k2, (B,), 0, N).astype(jnp.int64)
    return {"s": s, "nrow_gt": nrow_gt}

def reference(s, nrow_gt):
    # F.normalize(s, p=2, dim=-1) with eps=1e-12 clamp
    eps = 1e-12
    norm = jnp.sqrt(jnp.sum(s * s, axis=-1, keepdims=True))
    norm_s = s / jnp.maximum(norm, eps)
    # softmax over last dim for each full row
    sm = jax.nn.softmax(norm_s, axis=-1)
    # ret_s[b, 0:n, :] = softmax(norm_s[b, 0:n, :]); rows >= nrow_gt[b] remain zero
    row_ids = jnp.arange(s.shape[1])
    row_mask = row_ids[None, :] < nrow_gt[:, None]  # [B, N]
    ret_s = jnp.where(row_mask[:, :, None], sm, jnp.zeros_like(sm))
    return ret_s

if __name__ == "__main__":
    import jax
    _d = setup_inputs()
    print(jax.jit(kernel)(*tuple(_d.values())))

</pallas_src>

<mosaic_0001>
#map = affine_map<(d0, d1) -> (0)>
#map1 = affine_map<(d0, d1) -> (0, 0)>
module attributes {stable_mosaic.version = 14 : i64} {
  func.func @_sc_zero_body(%arg0: i32, %arg1: i32, %arg2: memref<16xi32, #tpu.memory_space<hbm>>, %arg3: memref<16384x2048xf32, #tpu.memory_space<hbm>>, %arg4: memref<16xi32, #tpu.memory_space<vmem>>, %arg5: memref<16x2048xf32, #tpu.memory_space<vmem>>) attributes {dimension_semantics = [#tpu.dimension_semantics<core_parallel>, #tpu.dimension_semantics<subcore_parallel>], iteration_bounds = array<i64: 2, 16>, scalar_prefetch = 0 : i64, scratch_operands = 2 : i64, tpu.core_type = #tpu.core_type<sc_vector_subcore>, window_params = [{transform_indices = #map}, {transform_indices = #map1}]} {
    %mul3A = arith.constant 2 : i32
    %mul3A_0 = arith.muli %arg1, %mul3A : i32
    %add3A = arith.addi %mul3A_0, %arg0 : i32
    "tpu.region"() ({
      %run_scoped3A = tpu.sem_alloc : memref<!tpu.dma_semaphore, #tpu.memory_space<semaphore_mem>>
      tpu.enqueue_dma source(%arg2 : memref<16xi32, #tpu.memory_space<hbm>>) target(%arg4 : memref<16xi32, #tpu.memory_space<vmem>>) target_semaphore(%run_scoped3A : memref<!tpu.dma_semaphore, #tpu.memory_space<semaphore_mem>>)
      tpu.wait_dma2 semaphore(%run_scoped3A : memref<!tpu.dma_semaphore, #tpu.memory_space<semaphore_mem>>) src(%arg2 : memref<16xi32, #tpu.memory_space<hbm>>) dst(%arg4 : memref<16xi32, #tpu.memory_space<vmem>>)
      tpu.yield
    }) : () -> ()
    %get3A = arith.constant 0 : index
    %get3A_1 = tpu.vector_load %arg4[%get3A] {strides = array<i32>} : memref<16xi32, #tpu.memory_space<vmem>>, vector<16xi32>,
    %convert_element_type3A = arith.sitofp %get3A_1 : vector<16xi32> to vector<16xf32>
    %iota3A = tpu.iota {dimensions = array<i32: 0>} : vector<16xi32>
    %broadcast_in_dim3A = arith.constant 0.000000e+00 : f32
    %broadcast_in_dim3A_2 = vector.broadcast %broadcast_in_dim3A : f32 to vector<16xf32>
    %scan3A = arith.constant 0 : i32
    %scan3A_3 = arith.constant 0 : i32
    %scan3A_4 = arith.constant 16 : i32
    %scan3A_5 = arith.addi %scan3A_3, %scan3A_4 : i32
    %scan3A_6 = arith.constant 1 : i32
    scf.for %scan3A_14 = %scan3A_3 to %scan3A_5 step %scan3A_6  : i32 {
      %swap3A = arith.index_cast %scan3A_14 : i32 to index
      %swap3A_15 = arith.constant 0 : index
      %swap3A_16 = tpu.vector_load %arg5[%swap3A, %swap3A_15] {strides = array<i32>} : memref<16x2048xf32, #tpu.memory_space<vmem>>, vector<16xf32>,
      tpu.vector_store %arg5[%swap3A, %swap3A_15], %broadcast_in_dim3A_2 {strides = array<i32>} : memref<16x2048xf32, #tpu.memory_space<vmem>>, vector<16xf32>,
      %swap3A_17 = arith.index_cast %scan3A_14 : i32 to index
      %swap3A_18 = arith.constant 16 : index
      %swap3A_19 = tpu.vector_load %arg5[%swap3A_17, %swap3A_18] {strides = array<i32>} : memref<16x2048xf32, #tpu.memory_space<vmem>>, vector<16xf32>,
      tpu.vector_store %arg5[%swap3A_17, %swap3A_18], %broadcast_in_dim3A_2 {strides = array<i32>} : memref<16x2048xf32, #tpu.memory_space<vmem>>, vector<16xf32>,
      %swap3A_20 = arith.index_cast %scan3A_14 : i32 to index
      %swap3A_21 = arith.constant 32 : index
      %swap3A_22 = tpu.vector_load %arg5[%swap3A_20, %swap3A_21] {strides = array<i32>} : memref<16x2048xf32, #tpu.memory_space<vmem>>, vector<16xf32>,
      tpu.vector_store %arg5[%swap3A_20, %swap3A_21], %broadcast_in_dim3A_2 {strides = array<i32>} : memref<16x2048xf32, #tpu.memory_space<vmem>>, vector<16xf32>,
      %swap3A_23 = arith.index_cast %scan3A_14 : i32 to index
      %swap3A_24 = arith.constant 48 : index
      %swap3A_25 = tpu.vector_load %arg5[%swap3A_23, %swap3A_24] {strides = array<i32>} : memref<16x2048xf32, #tpu.memory_space<vmem>>, vector<16xf32>,
      tpu.vector_store %arg5[%swap3A_23, %swap3A_24], %broadcast_in_dim3A_2 {strides = array<i32>} : memref<16x2048xf32, #tpu.memory_space<vmem>>, vector<16xf32>,
      %swap3A_26 = arith.index_cast %scan3A_14 : i32 to index
      %swap3A_27 = arith.constant 64 : index
      %swap3A_28 = tpu.vector_load %arg5[%swap3A_26, %swap3A_27] {strides = array<i32>} : memref<16x2048xf32, #tpu.memory_space<vmem>>, vector<16xf32>,
      tpu.vector_store %arg5[%swap3A_26, %swap3A_27], %broadcast_in_dim3A_2 {strides = array<i32>} : memref<16x2048xf32, #tpu.memory_space<vmem>>, vector<16xf32>,
      %swap3A_29 = arith.index_cast %scan3A_14 : i32 to index
      %swap3A_30 = arith.constant 80 : index
      %swap3A_31 = tpu.vector_load %arg5[%swap3A_29, %swap3A_30] {strides = array<i32>} : memref<16x2048xf32, #tpu.memory_space<vmem>>, vector<16xf32>,
      tpu.vector_store %arg5[%swap3A_29, %swap3A_30], %broadcast_in_dim3A_2 {strides = array<i32>} : memref<16x2048xf32, #tpu.memory_space<vmem>>, vector<16xf32>,
      %swap3A_32 = arith.index_cast %scan3A_14 : i32 to index
      %swap3A_33 = arith.constant 96 : index
      %swap3A_34 = tpu.vector_load %arg5[%swap3A_32, %swap3A_33] {strides = array<i32>} : memref<16x2048xf32, #tpu.memory_space<vmem>>, vector<16xf32>,
      tpu.vector_store %arg5[%swap3A_32, %swap3A_33], %broadcast_in_dim3A_2 {strides = array<i32>} : memref<16x2048xf32, #tpu.memory_space<vmem>>, vector<16xf32>,
      %swap3A_35 = arith.index_cast %scan3A_14 : i32 to index
      %swap3A_36 = arith.constant 112 : index
      %swap3A_37 = tpu.vector_load %arg5[%swap3A_35, %swap3A_36] {strides = array<i32>} : memref<16x2048xf32, #tpu.memory_space<vmem>>, vector<16xf32>,
      tpu.vector_store %arg5[%swap3A_35, %swap3A_36], %broadcast_in_dim3A_2 {strides = array<i32>} : memref<16x2048xf32, #tpu.memory_space<vmem>>, vector<16xf32>,
      %swap3A_38 = arith.index_cast %scan3A_14 : i32 to index
      %swap3A_39 = arith.constant 128 : index
      %swap3A_40 = tpu.vector_load %arg5[%swap3A_38, %swap3A_39] {strides = array<i32>} : memref<16x2048xf32, #tpu.memory_space<vmem>>, vector<16xf32>,
      tpu.vector_store %arg5[%swap3A_38, %swap3A_39], %broadcast_in_dim3A_2 {strides = array<i32>} : memref<16x2048xf32, #tpu.memory_space<vmem>>, vector<16xf32>,
      %swap3A_41 = arith.index_cast %scan3A_14 : i32 to index
      %swap3A_42 = arith.constant 144 : index
      %swap3A_43 = tpu.vector_load %arg5[%swap3A_41, %swap3A_42] {strides = array<i32>} : memref<16x2048xf32, #tpu.memory_space<vmem>>, vector<16xf32>,
      tpu.vector_store %arg5[%swap3A_41, %swap3A_42], %broadcast_in_dim3A_2 {strides = array<i32>} : memref<16x2048xf32, #tpu.memory_space<vmem>>, vector<16xf32>,
      %swap3A_44 = arith.index_cast %scan3A_14 : i32 to index
      %swap3A_45 = arith.constant 160 : index
      %swap3A_46 = tpu.vector_load %arg5[%swap3A_44, %swap3A_45] {strides = array<i32>} : memref<16x2048xf32, #tpu.memory_space<vmem>>, vector<16xf32>,
      tpu.vector_store %arg5[%swap3A_44, %swap3A_45], %broadcast_in_dim3A_2 {strides = array<i32>} : memref<16x2048xf32, #tpu.memory_space<vmem>>, vector<16xf32>,
      %swap3A_47 = arith.index_cast %scan3A_14 : i32 to index
      %swap3A_48 = arith.constant 176 : index
      %swap3A_49 = tpu.vector_load %arg5[%swap3A_47, %swap3A_48] {strides = array<i32>} : memref<16x2048xf32, #tpu.memory_space<vmem>>, vector<16xf32>,
      tpu.vector_store %arg5[%swap3A_47, %swap3A_48], %broadcast_in_dim3A_2 {strides = array<i32>} : memref<16x2048xf32, #tpu.memory_space<vmem>>, vector<16xf32>,
      %swap3A_50 = arith.index_cast %scan3A_14 : i32 to index
      %swap3A_51 = arith.constant 192 : index
      %swap3A_52 = tpu.vector_load %arg5[%swap3A_50, %swap3A_51] {strides = array<i32>} : memref<16x2048xf32, #tpu.memory_space<vmem>>, vector<16xf32>,
      tpu.vector_store %arg5[%swap3A_50, %swap3A_51], %broadcast_in_dim3A_2 {strides = array<i32>} : memref<16x2048xf32, #tpu.memory_space<vmem>>, vector<16xf32>,
      %swap3A_53 = arith.index_cast %scan3A_14 : i32 to index
      %swap3A_54 = arith.constant 208 : index
      %swap3A_55 = tpu.vector_load %arg5[%swap3A_53, %swap3A_54] {strides = array<i32>} : memref<16x2048xf32, #tpu.memory_space<vmem>>, vector<16xf32>,
      tpu.vector_store %arg5[%swap3A_53, %swap3A_54], %broadcast_in_dim3A_2 {strides = array<i32>} : memref<16x2048xf32, #tpu.memory_space<vmem>>, vector<16xf32>,
      %swap3A_56 = arith.index_cast %scan3A_14 : i32 to index
      %swap3A_57 = arith.constant 224 : index
      %swap3A_58 = tpu.vector_load %arg5[%swap3A_56, %swap3A_57] {strides = array<i32>} : memref<16x2048xf32, #tpu.memory_space<vmem>>, vector<16xf32>,
      tpu.vector_store %arg5[%swap3A_56, %swap3A_57], %broadcast_in_dim3A_2 {strides = array<i32>} : memref<16x2048xf32, #tpu.memory_space<vmem>>, vector<16xf32>,
      %swap3A_59 = arith.index_cast %scan3A_14 : i32 to index
      %swap3A_60 = arith.constant 240 : index
      %swap3A_61 = tpu.vector_load %arg5[%swap3A_59, %swap3A_60] {strides = array<i32>} : memref<16x2048xf32, #tpu.memory_space<vmem>>, vector<16xf32>,
      tpu.vector_store %arg5[%swap3A_59, %swap3A_60], %broadcast_in_dim3A_2 {strides = array<i32>} : memref<16x2048xf32, #tpu.memory_space<vmem>>, vector<16xf32>,
      %swap3A_62 = arith.index_cast %scan3A_14 : i32 to index
      %swap3A_63 = arith.constant 256 : index
      %swap3A_64 = tpu.vector_load %arg5[%swap3A_62, %swap3A_63] {strides = array<i32>} : memref<16x2048xf32, #tpu.memory_space<vmem>>, vector<16xf32>,
      tpu.vector_store %arg5[%swap3A_62, %swap3A_63], %broadcast_in_dim3A_2 {strides = array<i32>} : memref<16x2048xf32, #tpu.memory_space<vmem>>, vector<16xf32>,
      %swap3A_65 = arith.index_cast %scan3A_14 : i32 to index
      %swap3A_66 = arith.constant 272 : index
      %swap3A_67 = tpu.vector_load %arg5[%swap3A_65, %swap3A_66] {strides = array<i32>} : memref<16x2048xf32, #tpu.memory_space<vmem>>, vector<16xf32>,
      tpu.vector_store %arg5[%swap3A_65, %swap3A_66], %broadcast_in_dim3A_2 {strides = array<i32>} : memref<16x2048xf32, #tpu.memory_space<vmem>>, vector<16xf32>,
      %swap3A_68 = arith.index_cast %scan3A_14 : i32 to index
      %swap3A_69 = arith.constant 288 : index
      %swap3A_70 = tpu.vector_load %arg5[%swap3A_68, %swap3A_69] {strides = array<i32>} : memref<16x2048xf32, #tpu.memory_space<vmem>>, vector<16xf32>,
      tpu.vector_store %arg5[%swap3A_68, %swap3A_69], %broadcast_in_dim3A_2 {strides = array<i32>} : memref<16x2048xf32, #tpu.memory_space<vmem>>, vector<16xf32>,
      %swap3A_71 = arith.index_cast %scan3A_14 : i32 to index
      %swap3A_72 = arith.constant 304 : index
      %swap3A_73 = tpu.vector_load %arg5[%swap3A_71, %swap3A_72] {strides = array<i32>} : memref<16x2048xf32, #tpu.memory_space<vmem>>, vector<16xf32>,
      tpu.vector_store %arg5[%swap3A_71, %swap3A_72], %broadcast_in_dim3A_2 {strides = array<i32>} : memref<16x2048xf32, #tpu.memory_space<vmem>>, vector<16xf32>,
      %swap3A_74 = arith.index_cast %scan3A_14 : i32 to index
      %swap3A_75 = arith.constant 320 : index
      %swap3A_76 = tpu.vector_load %arg5[%swap3A_74, %swap3A_75] {strides = array<i32>} : memref<16x2048xf32, #tpu.memory_space<vmem>>, vector<16xf32>,
      tpu.vector_store %arg5[%swap3A_74, %swap3A_75], %broadcast_in_dim3A_2 {strides = array<i32>} : memref<16x2048xf32, #tpu.memory_space<vmem>>, vector<16xf32>,
      %swap3A_77 = arith.index_cast %scan3A_14 : i32 to index
      %swap3A_78 = arith.constant 336 : index
      %swap3A_79 = tpu.vector_load %arg5[%swap3A_77, %swap3A_78] {strides = array<i32>} : memref<16x2048xf32, #tpu.memory_space<vmem>>, vector<16xf32>,
      tpu.vector_store %arg5[%swap3A_77, %swap3A_78], %broadcast_in_dim3A_2 {strides = array<i32>} : memref<16x2048xf32, #tpu.memory_space<vmem>>, vector<16xf32>,
      %swap3A_80 = arith.index_cast %scan3A_14 : i32 to index
      %swap3A_81 = arith.constant 352 : index
      %swap3A_82 = tpu.vector_load %arg5[%swap3A_80, %swap3A_81] {strides = array<i32>} : memref<16x2048xf32, #tpu.memory_space<vmem>>, vector<16xf32>,
      tpu.vector_store %arg5[%swap3A_80, %swap3A_81], %broadcast_in_dim3A_2 {strides = array<i32>} : memref<16x2048xf32, #tpu.memory_space<vmem>>, vector<16xf32>,
      %swap3A_83 = arith.index_cast %scan3A_14 : i32 to index
      %swap3A_84 = arith.constant 368 : index
      %swap3A_85 = tpu.vector_load %arg5[%swap3A_83, %swap3A_84] {strides = array<i32>} : memref<16x2048xf32, #tpu.memory_space<vmem>>, vector<16xf32>,
      tpu.vector_store %arg5[%swap3A_83, %swap3A_84], %broadcast_in_dim3A_2 {strides = array<i32>} : memref<16x2048xf32, #tpu.memory_space<vmem>>, vector<16xf32>,
      %swap3A_86 = arith.index_cast %scan3A_14 : i32 to index
      %swap3A_87 = arith.constant 384 : index
      %swap3A_88 = tpu.vector_load %arg5[%swap3A_86, %swap3A_87] {strides = array<i32>} : memref<16x2048xf32, #tpu.memory_space<vmem>>, vector<16xf32>,
      tpu.vector_store %arg5[%swap3A_86, %swap3A_87], %broadcast_in_dim3A_2 {strides = array<i32>} : memref<16x2048xf32, #tpu.memory_space<vmem>>, vector<16xf32>,
      %swap3A_89 = arith.index_cast %scan3A_14 : i32 to index
      %swap3A_90 = arith.constant 400 : index
      %swap3A_91 = tpu.vector_load %arg5[%swap3A_89, %swap3A_90] {strides = array<i32>} : memref<16x2048xf32, #tpu.memory_space<vmem>>, vector<16xf32>,
      tpu.vector_store %arg5[%swap3A_89, %swap3A_90], %broadcast_in_dim3A_2 {strides = array<i32>} : memref<16x2048xf32, #tpu.memory_space<vmem>>, vector<16xf32>,
      %swap3A_92 = arith.index_cast %scan3A_14 : i32 to index
      %swap3A_93 = arith.constant 416 : index
      %swap3A_94 = tpu.vector_load %arg5[%swap3A_92, %swap3A_93] {strides = array<i32>} : memref<16x2048xf32, #tpu.memory_space<vmem>>, vector<16xf32>,
      tpu.vector_store %arg5[%swap3A_92, %swap3A_93], %broadcast_in_dim3A_2 {strides = array<i32>} : memref<16x2048xf32, #tpu.memory_space<vmem>>, vector<16xf32>,
      %swap3A_95 = arith.index_cast %scan3A_14 : i32 to index
      %swap3A_96 = arith.constant 432 : index
      %swap3A_97 = tpu.vector_load %arg5[%swap3A_95, %swap3A_96] {strides = array<i32>} : memref<16x2048xf32, #tpu.memory_space<vmem>>, vector<16xf32>,
      tpu.vector_store %arg5[%swap3A_95, %swap3A_96], %broadcast_in_dim3A_2 {strides = array<i32>} : memref<16x2048xf32, #tpu.memory_space<vmem>>, vector<16xf32>,
      %swap3A_98 = arith.index_cast %scan3A_14 : i32 to index
      %swap3A_99 = arith.constant 448 : index
      %swap3A_100 = tpu.vector_load %arg5[%swap3A_98, %swap3A_99] {strides = array<i32>} : memref<16x2048xf32, #tpu.memory_space<vmem>>, vector<16xf32>,
      tpu.vector_store %arg5[%swap3A_98, %swap3A_99], %broadcast_in_dim3A_2 {strides = array<i32>} : memref<16x2048xf32, #tpu.memory_space<vmem>>, vector<16xf32>,
      %swap3A_101 = arith.index_cast %scan3A_14 : i32 to index
      %swap3A_102 = arith.constant 464 : index
      %swap3A_103 = tpu.vector_load %arg5[%swap3A_101, %swap3A_102] {strides = array<i32>} : memref<16x2048xf32, #tpu.memory_space<vmem>>, vector<16xf32>,
      tpu.vector_store %arg5[%swap3A_101, %swap3A_102], %broadcast_in_dim3A_2 {strides = array<i32>} : memref<16x2048xf32, #tpu.memory_space<vmem>>, vector<16xf32>,
      %swap3A_104 = arith.index_cast %scan3A_14 : i32 to index
      %swap3A_105 = arith.constant 480 : index
      %swap3A_106 = tpu.vector_load %arg5[%swap3A_104, %swap3A_105] {strides = array<i32>} : memref<16x2048xf32, #tpu.memory_space<vmem>>, vector<16xf32>,
      tpu.vector_store %arg5[%swap3A_104, %swap3A_105], %broadcast_in_dim3A_2 {strides = array<i32>} : memref<16x2048xf32, #tpu.memory_space<vmem>>, vector<16xf32>,
      %swap3A_107 = arith.index_cast %scan3A_14 : i32 to index
      %swap3A_108 = arith.constant 496 : index
      %swap3A_109 = tpu.vector_load %arg5[%swap3A_107, %swap3A_108] {strides = array<i32>} : memref<16x2048xf32, #tpu.memory_space<vmem>>, vector<16xf32>,
      tpu.vector_store %arg5[%swap3A_107, %swap3A_108], %broadcast_in_dim3A_2 {strides = array<i32>} : memref<16x2048xf32, #tpu.memory_space<vmem>>, vector<16xf32>,
      %swap3A_110 = arith.index_cast %scan3A_14 : i32 to index
      %swap3A_111 = arith.constant 512 : index
      %swap3A_112 = tpu.vector_load %arg5[%swap3A_110, %swap3A_111] {strides = array<i32>} : memref<16x2048xf32, #tpu.memory_space<vmem>>, vector<16xf32>,
      tpu.vector_store %arg5[%swap3A_110, %swap3A_111], %broadcast_in_dim3A_2 {strides = array<i32>} : memref<16x2048xf32, #tpu.memory_space<vmem>>, vector<16xf32>,
      %swap3A_113 = arith.index_cast %scan3A_14 : i32 to index
      %swap3A_114 = arith.constant 528 : index
      %swap3A_115 = tpu.vector_load %arg5[%swap3A_113, %swap3A_114] {strides = array<i32>} : memref<16x2048xf32, #tpu.memory_space<vmem>>, vector<16xf32>,
      tpu.vector_store %arg5[%swap3A_113, %swap3A_114], %broadcast_in_dim3A_2 {strides = array<i32>} : memref<16x2048xf32, #tpu.memory_space<vmem>>, vector<16xf32>,
      %swap3A_116 = arith.index_cast %scan3A_14 : i32 to index
      %swap3A_117 = arith.constant 544 : index
      %swap3A_118 = tpu.vector_load %arg5[%swap3A_116, %swap3A_117] {strides = array<i32>} : memref<16x2048xf32, #tpu.memory_space<vmem>>, vector<16xf32>,
      tpu.vector_store %arg5[%swap3A_116, %swap3A_117], %broadcast_in_dim3A_2 {strides = array<i32>} : memref<16x2048xf32, #tpu.memory_space<vmem>>, vector<16xf32>,
      %swap3A_119 = arith.index_cast %scan3A_14 : i32 to index
      %swap3A_120 = arith.constant 560 : index
      %swap3A_121 = tpu.vector_load %arg5[%swap3A_119, %swap3A_120] {strides = array<i32>} : memref<16x2048xf32, #tpu.memory_space<vmem>>, vector<16xf32>,
      tpu.vector_store %arg5[%swap3A_119, %swap3A_120], %broadcast_in_dim3A_2 {strides = array<i32>} : memref<16x2048xf32, #tpu.memory_space<vmem>>, vector<16xf32>,
      %swap3A_122 = arith.index_cast %scan3A_14 : i32 to index
      %swap3A_123 = arith.constant 576 : index
      %swap3A_124 = tpu.vector_load %arg5[%swap3A_122, %swap3A_123] {strides = array<i32>} : memref<16x2048xf32, #tpu.memory_space<vmem>>, vector<16xf32>,
      tpu.vector_store %arg5[%swap3A_122, %swap3A_123], %broadcast_in_dim3A_2 {strides = array<i32>} : memref<16x2048xf32, #tpu.memory_space<vmem>>, vector<16xf32>,
      %swap3A_125 = arith.index_cast %scan3A_14 : i32 to index
      %swap3A_126 = arith.constant 592 : index
      %swap3A_127 = tpu.vector_load %arg5[%swap3A_125, %swap3A_126] {strides = array<i32>} : memref<16x2048xf32, #tpu.memory_space<vmem>>, vector<16xf32>,
      tpu.vector_store %arg5[%swap3A_125, %swap3A_126], %broadcast_in_dim3A_2 {strides = array<i32>} : memref<16x2048xf32, #tpu.memory_space<vmem>>, vector<16xf32>,
      %swap3A_128 = arith.index_cast %scan3A_14 : i32 to index
      %swap3A_129 = arith.constant 608 : index
      %swap3A_130 = tpu.vector_load %arg5[%swap3A_128, %swap3A_129] {strides = array<i32>} : memref<16x2048xf32, #tpu.memory_space<vmem>>, vector<16xf32>,
      tpu.vector_store %arg5[%swap3A_128, %swap3A_129], %broadcast_in_dim3A_2 {strides = array<i32>} : memref<16x2048xf32, #tpu.memory_space<vmem>>, vector<16xf32>,
      %swap3A_131 = arith.index_cast %scan3A_14 : i32 to index
      %swap3A_132 = arith.constant 624 : index
      %swap3A_133 = tpu.vector_load %arg5[%swap3A_131, %swap3A_132] {strides = array<i32>} : memref<16x2048xf32, #tpu.memory_space<vmem>>, vector<16xf32>,
      tpu.vector_store %arg5[%swap3A_131, %swap3A_132], %broadcast_in_dim3A_2 {strides = array<i32>} : memref<16x2048xf32, #tpu.memory_space<vmem>>, vector<16xf32>,
      %swap3A_134 = arith.index_cast %scan3A_14 : i32 to index
      %swap3A_135 = arith.constant 640 : index
      %swap3A_136 = tpu.vector_load %arg5[%swap3A_134, %swap3A_135] {strides = array<i32>} : memref<16x2048xf32, #tpu.memory_space<vmem>>, vector<16xf32>,
      tpu.vector_store %arg5[%swap3A_134, %swap3A_135], %broadcast_in_dim3A_2 {strides = array<i32>} : memref<16x2048xf32, #tpu.memory_space<vmem>>, vector<16xf32>,
      %swap3A_137 = arith.index_cast %scan3A_14 : i32 to index
      %swap3A_138 = arith.constant 656 : index
      %swap3A_139 = tpu.vector_load %arg5[%swap3A_137, %swap3A_138] {strides = array<i32>} : memref<16x2048xf32, #tpu.memory_space<vmem>>, vector<16xf32>,
      tpu.vector_store %arg5[%swap3A_137, %swap3A_138], %broadcast_in_dim3A_2 {strides = array<i32>} : memref<16x2048xf32, #tpu.memory_space<vmem>>, vector<16xf32>,
      %swap3A_140 = arith.index_cast %scan3A_14 : i32 to index
      %swap3A_141 = arith.constant 672 : index
      %swap3A_142 = tpu.vector_load %arg5[%swap3A_140, %swap3A_141] {strides = array<i32>} : memref<16x2048xf32, #tpu.memory_space<vmem>>, vector<16xf32>,
      tpu.vector_store %arg5[%swap3A_140, %swap3A_141], %broadcast_in_dim3A_2 {strides = array<i32>} : memref<16x2048xf32, #tpu.memory_space<vmem>>, vector<16xf32>,
      %swap3A_143 = arith.index_cast %scan3A_14 : i32 to index
      %swap3A_144 = arith.constant 688 : index
      %swap3A_145 = tpu.vector_load %arg5[%swap3A_143, %swap3A_144] {strides = array<i32>} : memref<16x2048xf32, #tpu.memory_space<vmem>>, vector<16xf32>,
      tpu.vector_store %arg5[%swap3A_143, %swap3A_144], %broadcast_in_dim3A_2 {strides = array<i32>} : memref<16x2048xf32, #tpu.memory_space<vmem>>, vector<16xf32>,
      %swap3A_146 = arith.index_cast %scan3A_14 : i32 to index
      %swap3A_147 = arith.constant 704 : index
      %swap3A_148 = tpu.vector_load %arg5[%swap3A_146, %swap3A_147] {strides = array<i32>} : memref<16x2048xf32, #tpu.memory_space<vmem>>, vector<16xf32>,
      tpu.vector_store %arg5[%swap3A_146, %swap3A_147], %broadcast_in_dim3A_2 {strides = array<i32>} : memref<16x2048xf32, #tpu.memory_space<vmem>>, vector<16xf32>,
      %swap3A_149 = arith.index_cast %scan3A_14 : i32 to index
      %swap3A_150 = arith.constant 720 : index
      %swap3A_151 = tpu.vector_load %arg5[%swap3A_149, %swap3A_150] {strides = array<i32>} : memref<16x2048xf32, #tpu.memory_space<vmem>>, vector<16xf32>,
      tpu.vector_store %arg5[%swap3A_149, %swap3A_150], %broadcast_in_dim3A_2 {strides = array<i32>} : memref<16x2048xf32, #tpu.memory_space<vmem>>, vector<16xf32>,
      %swap3A_152 = arith.index_cast %scan3A_14 : i32 to index
      %swap3A_153 = arith.constant 736 : index
      %swap3A_154 = tpu.vector_load %arg5[%swap3A_152, %swap3A_153] {strides = array<i32>} : memref<16x2048xf32, #tpu.memory_space<vmem>>, vector<16xf32>,
      tpu.vector_store %arg5[%swap3A_152, %swap3A_153], %broadcast_in_dim3A_2 {strides = array<i32>} : memref<16x2048xf32, #tpu.memory_space<vmem>>, vector<16xf32>,
      %swap3A_155 = arith.index_cast %scan3A_14 : i32 to index
      %swap3A_156 = arith.constant 752 : index
      %swap3A_157 = tpu.vector_load %arg5[%swap3A_155, %swap3A_156] {strides = array<i32>} : memref<16x2048xf32, #tpu.memory_space<vmem>>, vector<16xf32>,
      tpu.vector_store %arg5[%swap3A_155, %swap3A_156], %broadcast_in_dim3A_2 {strides = array<i32>} : memref<16x2048xf32, #tpu.memory_space<vmem>>, vector<16xf32>,
      %swap3A_158 = arith.index_cast %scan3A_14 : i32 to index
      %swap3A_159 = arith.constant 768 : index
      %swap3A_160 = tpu.vector_load %arg5[%swap3A_158, %swap3A_159] {strides = array<i32>} : memref<16x2048xf32, #tpu.memory_space<vmem>>, vector<16xf32>,
      tpu.vector_store %arg5[%swap3A_158, %swap3A_159], %broadcast_in_dim3A_2 {strides = array<i32>} : memref<16x2048xf32, #tpu.memory_space<vmem>>, vector<16xf32>,
      %swap3A_161 = arith.index_cast %scan3A_14 : i32 to index
      %swap3A_162 = arith.constant 784 : index
      %swap3A_163 = tpu.vector_load %arg5[%swap3A_161, %swap3A_162] {strides = array<i32>} : memref<16x2048xf32, #tpu.memory_space<vmem>>, vector<16xf32>,
      tpu.vector_store %arg5[%swap3A_161, %swap3A_162], %broadcast_in_dim3A_2 {strides = array<i32>} : memref<16x2048xf32, #tpu.memory_space<vmem>>, vector<16xf32>,
      %swap3A_164 = arith.index_cast %scan3A_14 : i32 to index
      %swap3A_165 = arith.constant 800 : index
      %swap3A_166 = tpu.vector_load %arg5[%swap3A_164, %swap3A_165] {strides = array<i32>} : memref<16x2048xf32, #tpu.memory_space<vmem>>, vector<16xf32>,
      tpu.vector_store %arg5[%swap3A_164, %swap3A_165], %broadcast_in_dim3A_2 {strides = array<i32>} : memref<16x2048xf32, #tpu.memory_space<vmem>>, vector<16xf32>,
      %swap3A_167 = arith.index_cast %scan3A_14 : i32 to index
      %swap3A_168 = arith.constant 816 : index
      %swap3A_169 = tpu.vector_load %arg5[%swap3A_167, %swap3A_168] {strides = array<i32>} : memref<16x2048xf32, #tpu.memory_space<vmem>>, vector<16xf32>,
      tpu.vector_store %arg5[%swap3A_167, %swap3A_168], %broadcast_in_dim3A_2 {strides = array<i32>} : memref<16x2048xf32, #tpu.memory_space<vmem>>, vector<16xf32>,
      %swap3A_170 = arith.index_cast %scan3A_14 : i32 to index
      %swap3A_171 = arith.constant 832 : index
      %swap3A_172 = tpu.vector_load %arg5[%swap3A_170, %swap3A_171] {strides = array<i32>} : memref<16x2048xf32, #tpu.memory_space<vmem>>, vector<16xf32>,
      tpu.vector_store %arg5[%swap3A_170, %swap3A_171], %broadcast_in_dim3A_2 {strides = array<i32>} : memref<16x2048xf32, #tpu.memory_space<vmem>>, vector<16xf32>,
      %swap3A_173 = arith.index_cast %scan3A_14 : i32 to index
      %swap3A_174 = arith.constant 848 : index
      %swap3A_175 = tpu.vector_load %arg5[%swap3A_173, %swap3A_174] {strides = array<i32>} : memref<16x2048xf32, #tpu.memory_space<vmem>>, vector<16xf32>,
      tpu.vector_store %arg5[%swap3A_173, %swap3A_174], %broadcast_in_dim3A_2 {strides = array<i32>} : memref<16x2048xf32, #tpu.memory_space<vmem>>, vector<16xf32>,
      %swap3A_176 = arith.index_cast %scan3A_14 : i32 to index
      %swap3A_177 = arith.constant 864 : index
      %swap3A_178 = tpu.vector_load %arg5[%swap3A_176, %swap3A_177] {strides = array<i32>} : memref<16x2048xf32, #tpu.memory_space<vmem>>, vector<16xf32>,
      tpu.vector_store %arg5[%swap3A_176, %swap3A_177], %broadcast_in_dim3A_2 {strides = array<i32>} : memref<16x2048xf32, #tpu.memory_space<vmem>>, vector<16xf32>,
      %swap3A_179 = arith.index_cast %scan3A_14 : i32 to index
      %swap3A_180 = arith.constant 880 : index
      %swap3A_181 = tpu.vector_load %arg5[%swap3A_179, %swap3A_180] {strides = array<i32>} : memref<16x2048xf32, #tpu.memory_space<vmem>>, vector<16xf32>,
      tpu.vector_store %arg5[%swap3A_179, %swap3A_180], %broadcast_in_dim3A_2 {strides = array<i32>} : memref<16x2048xf32, #tpu.memory_space<vmem>>, vector<16xf32>,
      %swap3A_182 = arith.index_cast %scan3A_14 : i32 to index
      %swap3A_183 = arith.constant 896 : index
      %swap3A_184 = tpu.vector_load %arg5[%swap3A_182, %swap3A_183] {strides = array<i32>} : memref<16x2048xf32, #tpu.memory_space<vmem>>, vector<16xf32>,
      tpu.vector_store %arg5[%swap3A_182, %swap3A_183], %broadcast_in_dim3A_2 {strides = array<i32>} : memref<16x2048xf32, #tpu.memory_space<vmem>>, vector<16xf32>,
      %swap3A_185 = arith.index_cast %scan3A_14 : i32 to index
      %swap3A_186 = arith.constant 912 : index
      %swap3A_187 = tpu.vector_load %arg5[%swap3A_185, %swap3A_186] {strides = array<i32>} : memref<16x2048xf32, #tpu.memory_space<vmem>>, vector<16xf32>,
      tpu.vector_store %arg5[%swap3A_185, %swap3A_186], %broadcast_in_dim3A_2 {strides = array<i32>} : memref<16x2048xf32, #tpu.memory_space<vmem>>, vector<16xf32>,
      %swap3A_188 = arith.index_cast %scan3A_14 : i32 to index
      %swap3A_189 = arith.constant 928 : index
      %swap3A_190 = tpu.vector_load %arg5[%swap3A_188, %swap3A_189] {strides = array<i32>} : memref<16x2048xf32, #tpu.memory_space<vmem>>, vector<16xf32>,
      tpu.vector_store %arg5[%swap3A_188, %swap3A_189], %broadcast_in_dim3A_2 {strides = array<i32>} : memref<16x2048xf32, #tpu.memory_space<vmem>>, vector<16xf32>,
      %swap3A_191 = arith.index_cast %scan3A_14 : i32 to index
      %swap3A_192 = arith.constant 944 : index
      %swap3A_193 = tpu.vector_load %arg5[%swap3A_191, %swap3A_192] {strides = array<i32>} : memref<16x2048xf32, #tpu.memory_space<vmem>>, vector<16xf32>,
      tpu.vector_store %arg5[%swap3A_191, %swap3A_192], %broadcast_in_dim3A_2 {strides = array<i32>} : memref<16x2048xf32, #tpu.memory_space<vmem>>, vector<16xf32>,
      %swap3A_194 = arith.index_cast %scan3A_14 : i32 to index
      %swap3A_195 = arith.constant 960 : index
      %swap3A_196 = tpu.vector_load %arg5[%swap3A_194, %swap3A_195] {strides = array<i32>} : memref<16x2048xf32, #tpu.memory_space<vmem>>, vector<16xf32>,
      tpu.vector_store %arg5[%swap3A_194, %swap3A_195], %broadcast_in_dim3A_2 {strides = array<i32>} : memref<16x2048xf32, #tpu.memory_space<vmem>>, vector<16xf32>,
      %swap3A_197 = arith.index_cast %scan3A_14 : i32 to index
      %swap3A_198 = arith.constant 976 : index
      %swap3A_199 = tpu.vector_load %arg5[%swap3A_197, %swap3A_198] {strides = array<i32>} : memref<16x2048xf32, #tpu.memory_space<vmem>>, vector<16xf32>,
      tpu.vector_store %arg5[%swap3A_197, %swap3A_198], %broadcast_in_dim3A_2 {strides = array<i32>} : memref<16x2048xf32, #tpu.memory_space<vmem>>, vector<16xf32>,
      %swap3A_200 = arith.index_cast %scan3A_14 : i32 to index
      %swap3A_201 = arith.constant 992 : index
      %swap3A_202 = tpu.vector_load %arg5[%swap3A_200, %swap3A_201] {strides = array<i32>} : memref<16x2048xf32, #tpu.memory_space<vmem>>, vector<16xf32>,
      tpu.vector_store %arg5[%swap3A_200, %swap3A_201], %broadcast_in_dim3A_2 {strides = array<i32>} : memref<16x2048xf32, #tpu.memory_space<vmem>>, vector<16xf32>,
      %swap3A_203 = arith.index_cast %scan3A_14 : i32 to index
      %swap3A_204 = arith.constant 1008 : index
      %swap3A_205 = tpu.vector_load %arg5[%swap3A_203, %swap3A_204] {strides = array<i32>} : memref<16x2048xf32, #tpu.memory_space<vmem>>, vector<16xf32>,
      tpu.vector_store %arg5[%swap3A_203, %swap3A_204], %broadcast_in_dim3A_2 {strides = array<i32>} : memref<16x2048xf32, #tpu.memory_space<vmem>>, vector<16xf32>,
      %swap3A_206 = arith.index_cast %scan3A_14 : i32 to index
      %swap3A_207 = arith.constant 1024 : index
      %swap3A_208 = tpu.vector_load %arg5[%swap3A_206, %swap3A_207] {strides = array<i32>} : memref<16x2048xf32, #tpu.memory_space<vmem>>, vector<16xf32>,
      tpu.vector_store %arg5[%swap3A_206, %swap3A_207], %broadcast_in_dim3A_2 {strides = array<i32>} : memref<16x2048xf32, #tpu.memory_space<vmem>>, vector<16xf32>,
      %swap3A_209 = arith.index_cast %scan3A_14 : i32 to index
      %swap3A_210 = arith.constant 1040 : index
      %swap3A_211 = tpu.vector_load %arg5[%swap3A_209, %swap3A_210] {strides = array<i32>} : memref<16x2048xf32, #tpu.memory_space<vmem>>, vector<16xf32>,
      tpu.vector_store %arg5[%swap3A_209, %swap3A_210], %broadcast_in_dim3A_2 {strides = array<i32>} : memref<16x2048xf32, #tpu.memory_space<vmem>>, vector<16xf32>,
      %swap3A_212 = arith.index_cast %scan3A_14 : i32 to index
      %swap3A_213 = arith.constant 1056 : index
      %swap3A_214 = tpu.vector_load %arg5[%swap3A_212, %swap3A_213] {strides = array<i32>} : memref<16x2048xf32, #tpu.memory_space<vmem>>, vector<16xf32>,
      tpu.vector_store %arg5[%swap3A_212, %swap3A_213], %broadcast_in_dim3A_2 {strides = array<i32>} : memref<16x2048xf32, #tpu.memory_space<vmem>>, vector<16xf32>,
      %swap3A_215 = arith.index_cast %scan3A_14 : i32 to index
      %swap3A_216 = arith.constant 1072 : index
      %swap3A_217 = tpu.vector_load %arg5[%swap3A_215, %swap3A_216] {strides = array<i32>} : memref<16x2048xf32, #tpu.memory_space<vmem>>, vector<16xf32>,
      tpu.vector_store %arg5[%swap3A_215, %swap3A_216], %broadcast_in_dim3A_2 {strides = array<i32>} : memref<16x2048xf32, #tpu.memory_space<vmem>>, vector<16xf32>,
      %swap3A_218 = arith.index_cast %scan3A_14 : i32 to index
      %swap3A_219 = arith.constant 1088 : index
      %swap3A_220 = tpu.vector_load %arg5[%swap3A_218, %swap3A_219] {strides = array<i32>} : memref<16x2048xf32, #tpu.memory_space<vmem>>, vector<16xf32>,
      tpu.vector_store %arg5[%swap3A_218, %swap3A_219], %broadcast_in_dim3A_2 {strides = array<i32>} : memref<16x2048xf32, #tpu.memory_space<vmem>>, vector<16xf32>,
      %swap3A_221 = arith.index_cast %scan3A_14 : i32 to index
      %swap3A_222 = arith.constant 1104 : index
      %swap3A_223 = tpu.vector_load %arg5[%swap3A_221, %swap3A_222] {strides = array<i32>} : memref<16x2048xf32, #tpu.memory_space<vmem>>, vector<16xf32>,
      tpu.vector_store %arg5[%swap3A_221, %swap3A_222], %broadcast_in_dim3A_2 {strides = array<i32>} : memref<16x2048xf32, #tpu.memory_space<vmem>>, vector<16xf32>,
      %swap3A_224 = arith.index_cast %scan3A_14 : i32 to index
      %swap3A_225 = arith.constant 1120 : index
      %swap3A_226 = tpu.vector_load %arg5[%swap3A_224, %swap3A_225] {strides = array<i32>} : memref<16x2048xf32, #tpu.memory_space<vmem>>, vector<16xf32>,
      tpu.vector_store %arg5[%swap3A_224, %swap3A_225], %broadcast_in_dim3A_2 {strides = array<i32>} : memref<16x2048xf32, #tpu.memory_space<vmem>>, vector<16xf32>,
      %swap3A_227 = arith.index_cast %scan3A_14 : i32 to index
      %swap3A_228 = arith.constant 1136 : index
      %swap3A_229 = tpu.vector_load %arg5[%swap3A_227, %swap3A_228] {strides = array<i32>} : memref<16x2048xf32, #tpu.memory_space<vmem>>, vector<16xf32>,
      tpu.vector_store %arg5[%swap3A_227, %swap3A_228], %broadcast_in_dim3A_2 {strides = array<i32>} : memref<16x2048xf32, #tpu.memory_space<vmem>>, vector<16xf32>,
      %swap3A_230 = arith.index_cast %scan3A_14 : i32 to index
      %swap3A_231 = arith.constant 1152 : index
      %swap3A_232 = tpu.vector_load %arg5[%swap3A_230, %swap3A_231] {strides = array<i32>} : memref<16x2048xf32, #tpu.memory_space<vmem>>, vector<16xf32>,
      tpu.vector_store %arg5[%swap3A_230, %swap3A_231], %broadcast_in_dim3A_2 {strides = array<i32>} : memref<16x2048xf32, #tpu.memory_space<vmem>>, vector<16xf32>,
      %swap3A_233 = arith.index_cast %scan3A_14 : i32 to index
      %swap3A_234 = arith.constant 1168 : index
      %swap3A_235 = tpu.vector_load %arg5[%swap3A_233, %swap3A_234] {strides = array<i32>} : memref<16x2048xf32, #tpu.memory_space<vmem>>, vector<16xf32>,
      tpu.vector_store %arg5[%swap3A_233, %swap3A_234], %broadcast_in_dim3A_2 {strides = array<i32>} : memref<16x2048xf32, #tpu.memory_space<vmem>>, vector<16xf32>,
      %swap3A_236 = arith.index_cast %scan3A_14 : i32 to index
      %swap3A_237 = arith.constant 1184 : index
      %swap3A_238 = tpu.vector_load %arg5[%swap3A_236, %swap3A_237] {strides = array<i32>} : memref<16x2048xf32, #tpu.memory_space<vmem>>, vector<16xf32>,
      tpu.vector_store %arg5[%swap3A_236, %swap3A_237], %broadcast_in_dim3A_2 {strides = array<i32>} : memref<16x2048xf32, #tpu.memory_space<vmem>>, vector<16xf32>,
      %swap3A_239 = arith.index_cast %scan3A_14 : i32 to index
      %swap3A_240 = arith.constant 1200 : index
      %swap3A_241 = tpu.vector_load %arg5[%swap3A_239, %swap3A_240] {strides = array<i32>} : memref<16x2048xf32, #tpu.memory_space<vmem>>, vector<16xf32>,
      tpu.vector_store %arg5[%swap3A_239, %swap3A_240], %broadcast_in_dim3A_2 {strides = array<i32>} : memref<16x2048xf32, #tpu.memory_space<vmem>>, vector<16xf32>,
      %swap3A_242 = arith.index_cast %scan3A_14 : i32 to index
      %swap3A_243 = arith.constant 1216 : index
      %swap3A_244 = tpu.vector_load %arg5[%swap3A_242, %swap3A_243] {strides = array<i32>} : memref<16x2048xf32, #tpu.memory_space<vmem>>, vector<16xf32>,
      tpu.vector_store %arg5[%swap3A_242, %swap3A_243], %broadcast_in_dim3A_2 {strides = array<i32>} : memref<16x2048xf32, #tpu.memory_space<vmem>>, vector<16xf32>,
      %swap3A_245 = arith.index_cast %scan3A_14 : i32 to index
      %swap3A_246 = arith.constant 1232 : index
      %swap3A_247 = tpu.vector_load %arg5[%swap3A_245, %swap3A_246] {strides = array<i32>} : memref<16x2048xf32, #tpu.memory_space<vmem>>, vector<16xf32>,
      tpu.vector_store %arg5[%swap3A_245, %swap3A_246], %broadcast_in_dim3A_2 {strides = array<i32>} : memref<16x2048xf32, #tpu.memory_space<vmem>>, vector<16xf32>,
      %swap3A_248 = arith.index_cast %scan3A_14 : i32 to index
      %swap3A_249 = arith.constant 1248 : index
      %swap3A_250 = tpu.vector_load %arg5[%swap3A_248, %swap3A_249] {strides = array<i32>} : memref<16x2048xf32, #tpu.memory_space<vmem>>, vector<16xf32>,
      tpu.vector_store %arg5[%swap3A_248, %swap3A_249], %broadcast_in_dim3A_2 {strides = array<i32>} : memref<16x2048xf32, #tpu.memory_space<vmem>>, vector<16xf32>,
      %swap3A_251 = arith.index_cast %scan3A_14 : i32 to index
      %swap3A_252 = arith.constant 1264 : index
      %swap3A_253 = tpu.vector_load %arg5[%swap3A_251, %swap3A_252] {strides = array<i32>} : memref<16x2048xf32, #tpu.memory_space<vmem>>, vector<16xf32>,
      tpu.vector_store %arg5[%swap3A_251, %swap3A_252], %broadcast_in_dim3A_2 {strides = array<i32>} : memref<16x2048xf32, #tpu.memory_space<vmem>>, vector<16xf32>,
      %swap3A_254 = arith.index_cast %scan3A_14 : i32 to index
      %swap3A_255 = arith.constant 1280 : index
      %swap3A_256 = tpu.vector_load %arg5[%swap3A_254, %swap3A_255] {strides = array<i32>} : memref<16x2048xf32, #tpu.memory_space<vmem>>, vector<16xf32>,
      tpu.vector_store %arg5[%swap3A_254, %swap3A_255], %broadcast_in_dim3A_2 {strides = array<i32>} : memref<16x2048xf32, #tpu.memory_space<vmem>>, vector<16xf32>,
      %swap3A_257 = arith.index_cast %scan3A_14 : i32 to index
      %swap3A_258 = arith.constant 1296 : index
      %swap3A_259 = tpu.vector_load %arg5[%swap3A_257, %swap3A_258] {strides = array<i32>} : memref<16x2048xf32, #tpu.memory_space<vmem>>, vector<16xf32>,
      tpu.vector_store %arg5[%swap3A_257, %swap3A_258], %broadcast_in_dim3A_2 {strides = array<i32>} : memref<16x2048xf32, #tpu.memory_space<vmem>>, vector<16xf32>,
      %swap3A_260 = arith.index_cast %scan3A_14 : i32 to index
      %swap3A_261 = arith.constant 1312 : index
      %swap3A_262 = tpu.vector_load %arg5[%swap3A_260, %swap3A_261] {strides = array<i32>} : memref<16x2048xf32, #tpu.memory_space<vmem>>, vector<16xf32>,
      tpu.vector_store %arg5[%swap3A_260, %swap3A_261], %broadcast_in_dim3A_2 {strides = array<i32>} : memref<16x2048xf32, #tpu.memory_space<vmem>>, vector<16xf32>,
      %swap3A_263 = arith.index_cast %scan3A_14 : i32 to index
      %swap3A_264 = arith.constant 1328 : index
      %swap3A_265 = tpu.vector_load %arg5[%swap3A_263, %swap3A_264] {strides = array<i32>} : memref<16x2048xf32, #tpu.memory_space<vmem>>, vector<16xf32>,
      tpu.vector_store %arg5[%swap3A_263, %swap3A_264], %broadcast_in_dim3A_2 {strides = array<i32>} : memref<16x2048xf32, #tpu.memory_space<vmem>>, vector<16xf32>,
      %swap3A_266 = arith.index_cast %scan3A_14 : i32 to index
      %swap3A_267 = arith.constant 1344 : index
      %swap3A_268 = tpu.vector_load %arg5[%swap3A_266, %swap3A_267] {strides = array<i32>} : memref<16x2048xf32, #tpu.memory_space<vmem>>, vector<16xf32>,
      tpu.vector_store %arg5[%swap3A_266, %swap3A_267], %broadcast_in_dim3A_2 {strides = array<i32>} : memref<16x2048xf32, #tpu.memory_space<vmem>>, vector<16xf32>,
      %swap3A_269 = arith.index_cast %scan3A_14 : i32 to index
      %swap3A_270 = arith.constant 1360 : index
      %swap3A_271 = tpu.vector_load %arg5[%swap3A_269, %swap3A_270] {strides = array<i32>} : memref<16x2048xf32, #tpu.memory_space<vmem>>, vector<16xf32>,
      tpu.vector_store %arg5[%swap3A_269, %swap3A_270], %broadcast_in_dim3A_2 {strides = array<i32>} : memref<16x2048xf32, #tpu.memory_space<vmem>>, vector<16xf32>,
      %swap3A_272 = arith.index_cast %scan3A_14 : i32 to index
      %swap3A_273 = arith.constant 1376 : index
      %swap3A_274 = tpu.vector_load %arg5[%swap3A_272, %swap3A_273] {strides = array<i32>} : memref<16x2048xf32, #tpu.memory_space<vmem>>, vector<16xf32>,
      tpu.vector_store %arg5[%swap3A_272, %swap3A_273], %broadcast_in_dim3A_2 {strides = array<i32>} : memref<16x2048xf32, #tpu.memory_space<vmem>>, vector<16xf32>,
      %swap3A_275 = arith.index_cast %scan3A_14 : i32 to index
      %swap3A_276 = arith.constant 1392 : index
      %swap3A_277 = tpu.vector_load %arg5[%swap3A_275, %swap3A_276] {strides = array<i32>} : memref<16x2048xf32, #tpu.memory_space<vmem>>, vector<16xf32>,
      tpu.vector_store %arg5[%swap3A_275, %swap3A_276], %broadcast_in_dim3A_2 {strides = array<i32>} : memref<16x2048xf32, #tpu.memory_space<vmem>>, vector<16xf32>,
      %swap3A_278 = arith.index_cast %scan3A_14 : i32 to index
      %swap3A_279 = arith.constant 1408 : index
      %swap3A_280 = tpu.vector_load %arg5[%swap3A_278, %swap3A_279] {strides = array<i32>} : memref<16x2048xf32, #tpu.memory_space<vmem>>, vector<16xf32>,
      tpu.vector_store %arg5[%swap3A_278, %swap3A_279], %broadcast_in_dim3A_2 {strides = array<i32>} : memref<16x2048xf32, #tpu.memory_space<vmem>>, vector<16xf32>,
      %swap3A_281 = arith.index_cast %scan3A_14 : i32 to index
      %swap3A_282 = arith.constant 1424 : index
      %swap3A_283 = tpu.vector_load %arg5[%swap3A_281, %swap3A_282] {strides = array<i32>} : memref<16x2048xf32, #tpu.memory_space<vmem>>, vector<16xf32>,
      tpu.vector_store %arg5[%swap3A_281, %swap3A_282], %broadcast_in_dim3A_2 {strides = array<i32>} : memref<16x2048xf32, #tpu.memory_space<vmem>>, vector<16xf32>,
      %swap3A_284 = arith.index_cast %scan3A_14 : i32 to index
      %swap3A_285 = arith.constant 1440 : index
      %swap3A_286 = tpu.vector_load %arg5[%swap3A_284, %swap3A_285] {strides = array<i32>} : memref<16x2048xf32, #tpu.memory_space<vmem>>, vector<16xf32>,
      tpu.vector_store %arg5[%swap3A_284, %swap3A_285], %broadcast_in_dim3A_2 {strides = array<i32>} : memref<16x2048xf32, #tpu.memory_space<vmem>>, vector<16xf32>,
      %swap3A_287 = arith.index_cast %scan3A_14 : i32 to index
      %swap3A_288 = arith.constant 1456 : index
      %swap3A_289 = tpu.vector_load %arg5[%swap3A_287, %swap3A_288] {strides = array<i32>} : memref<16x2048xf32, #tpu.memory_space<vmem>>, vector<16xf32>,
      tpu.vector_store %arg5[%swap3A_287, %swap3A_288], %broadcast_in_dim3A_2 {strides = array<i32>} : memref<16x2048xf32, #tpu.memory_space<vmem>>, vector<16xf32>,
      %swap3A_290 = arith.index_cast %scan3A_14 : i32 to index
      %swap3A_291 = arith.constant 1472 : index
      %swap3A_292 = tpu.vector_load %arg5[%swap3A_290, %swap3A_291] {strides = array<i32>} : memref<16x2048xf32, #tpu.memory_space<vmem>>, vector<16xf32>,
      tpu.vector_store %arg5[%swap3A_290, %swap3A_291], %broadcast_in_dim3A_2 {strides = array<i32>} : memref<16x2048xf32, #tpu.memory_space<vmem>>, vector<16xf32>,
      %swap3A_293 = arith.index_cast %scan3A_14 : i32 to index
      %swap3A_294 = arith.constant 1488 : index
      %swap3A_295 = tpu.vector_load %arg5[%swap3A_293, %swap3A_294] {strides = array<i32>} : memref<16x2048xf32, #tpu.memory_space<vmem>>, vector<16xf32>,
      tpu.vector_store %arg5[%swap3A_293, %swap3A_294], %broadcast_in_dim3A_2 {strides = array<i32>} : memref<16x2048xf32, #tpu.memory_space<vmem>>, vector<16xf32>,
      %swap3A_296 = arith.index_cast %scan3A_14 : i32 to index
      %swap3A_297 = arith.constant 1504 : index
      %swap3A_298 = tpu.vector_load %arg5[%swap3A_296, %swap3A_297] {strides = array<i32>} : memref<16x2048xf32, #tpu.memory_space<vmem>>, vector<16xf32>,
      tpu.vector_store %arg5[%swap3A_296, %swap3A_297], %broadcast_in_dim3A_2 {strides = array<i32>} : memref<16x2048xf32, #tpu.memory_space<vmem>>, vector<16xf32>,
      %swap3A_299 = arith.index_cast %scan3A_14 : i32 to index
      %swap3A_300 = arith.constant 1520 : index
      %swap3A_301 = tpu.vector_load %arg5[%swap3A_299, %swap3A_300] {strides = array<i32>} : memref<16x2048xf32, #tpu.memory_space<vmem>>, vector<16xf32>,
      tpu.vector_store %arg5[%swap3A_299, %swap3A_300], %broadcast_in_dim3A_2 {strides = array<i32>} : memref<16x2048xf32, #tpu.memory_space<vmem>>, vector<16xf32>,
      %swap3A_302 = arith.index_cast %scan3A_14 : i32 to index
      %swap3A_303 = arith.constant 1536 : index
      %swap3A_304 = tpu.vector_load %arg5[%swap3A_302, %swap3A_303] {strides = array<i32>} : memref<16x2048xf32, #tpu.memory_space<vmem>>, vector<16xf32>,
      tpu.vector_store %arg5[%swap3A_302, %swap3A_303], %broadcast_in_dim3A_2 {strides = array<i32>} : memref<16x2048xf32, #tpu.memory_space<vmem>>, vector<16xf32>,
      %swap3A_305 = arith.index_cast %scan3A_14 : i32 to index
      %swap3A_306 = arith.constant 1552 : index
      %swap3A_307 = tpu.vector_load %arg5[%swap3A_305, %swap3A_306] {strides = array<i32>} : memref<16x2048xf32, #tpu.memory_space<vmem>>, vector<16xf32>,
      tpu.vector_store %arg5[%swap3A_305, %swap3A_306], %broadcast_in_dim3A_2 {strides = array<i32>} : memref<16x2048xf32, #tpu.memory_space<vmem>>, vector<16xf32>,
      %swap3A_308 = arith.index_cast %scan3A_14 : i32 to index
      %swap3A_309 = arith.constant 1568 : index
      %swap3A_310 = tpu.vector_load %arg5[%swap3A_308, %swap3A_309] {strides = array<i32>} : memref<16x2048xf32, #tpu.memory_space<vmem>>, vector<16xf32>,
      tpu.vector_store %arg5[%swap3A_308, %swap3A_309], %broadcast_in_dim3A_2 {strides = array<i32>} : memref<16x2048xf32, #tpu.memory_space<vmem>>, vector<16xf32>,
      %swap3A_311 = arith.index_cast %scan3A_14 : i32 to index
      %swap3A_312 = arith.constant 1584 : index
      %swap3A_313 = tpu.vector_load %arg5[%swap3A_311, %swap3A_312] {strides = array<i32>} : memref<16x2048xf32, #tpu.memory_space<vmem>>, vector<16xf32>,
      tpu.vector_store %arg5[%swap3A_311, %swap3A_312], %broadcast_in_dim3A_2 {strides = array<i32>} : memref<16x2048xf32, #tpu.memory_space<vmem>>, vector<16xf32>,
      %swap3A_314 = arith.index_cast %scan3A_14 : i32 to index
      %swap3A_315 = arith.constant 1600 : index
      %swap3A_316 = tpu.vector_load %arg5[%swap3A_314, %swap3A_315] {strides = array<i32>} : memref<16x2048xf32, #tpu.memory_space<vmem>>, vector<16xf32>,
      tpu.vector_store %arg5[%swap3A_314, %swap3A_315], %broadcast_in_dim3A_2 {strides = array<i32>} : memref<16x2048xf32, #tpu.memory_space<vmem>>, vector<16xf32>,
      %swap3A_317 = arith.index_cast %scan3A_14 : i32 to index
      %swap3A_318 = arith.constant 1616 : index
      %swap3A_319 = tpu.vector_load %arg5[%swap3A_317, %swap3A_318] {strides = array<i32>} : memref<16x2048xf32, #tpu.memory_space<vmem>>, vector<16xf32>,
      tpu.vector_store %arg5[%swap3A_317, %swap3A_318], %broadcast_in_dim3A_2 {strides = array<i32>} : memref<16x2048xf32, #tpu.memory_space<vmem>>, vector<16xf32>,
      %swap3A_320 = arith.index_cast %scan3A_14 : i32 to index
      %swap3A_321 = arith.constant 1632 : index
      %swap3A_322 = tpu.vector_load %arg5[%swap3A_320, %swap3A_321] {strides = array<i32>} : memref<16x2048xf32, #tpu.memory_space<vmem>>, vector<16xf32>,
      tpu.vector_store %arg5[%swap3A_320, %swap3A_321], %broadcast_in_dim3A_2 {strides = array<i32>} : memref<16x2048xf32, #tpu.memory_space<vmem>>, vector<16xf32>,
      %swap3A_323 = arith.index_cast %scan3A_14 : i32 to index
      %swap3A_324 = arith.constant 1648 : index
      %swap3A_325 = tpu.vector_load %arg5[%swap3A_323, %swap3A_324] {strides = array<i32>} : memref<16x2048xf32, #tpu.memory_space<vmem>>, vector<16xf32>,
      tpu.vector_store %arg5[%swap3A_323, %swap3A_324], %broadcast_in_dim3A_2 {strides = array<i32>} : memref<16x2048xf32, #tpu.memory_space<vmem>>, vector<16xf32>,
      %swap3A_326 = arith.index_cast %scan3A_14 : i32 to index
      %swap3A_327 = arith.constant 1664 : index
      %swap3A_328 = tpu.vector_load %arg5[%swap3A_326, %swap3A_327] {strides = array<i32>} : memref<16x2048xf32, #tpu.memory_space<vmem>>, vector<16xf32>,
      tpu.vector_store %arg5[%swap3A_326, %swap3A_327], %broadcast_in_dim3A_2 {strides = array<i32>} : memref<16x2048xf32, #tpu.memory_space<vmem>>, vector<16xf32>,
      %swap3A_329 = arith.index_cast %scan3A_14 : i32 to index
      %swap3A_330 = arith.constant 1680 : index
      %swap3A_331 = tpu.vector_load %arg5[%swap3A_329, %swap3A_330] {strides = array<i32>} : memref<16x2048xf32, #tpu.memory_space<vmem>>, vector<16xf32>,
      tpu.vector_store %arg5[%swap3A_329, %swap3A_330], %broadcast_in_dim3A_2 {strides = array<i32>} : memref<16x2048xf32, #tpu.memory_space<vmem>>, vector<16xf32>,
      %swap3A_332 = arith.index_cast %scan3A_14 : i32 to index
      %swap3A_333 = arith.constant 1696 : index
      %swap3A_334 = tpu.vector_load %arg5[%swap3A_332, %swap3A_333] {strides = array<i32>} : memref<16x2048xf32, #tpu.memory_space<vmem>>, vector<16xf32>,
      tpu.vector_store %arg5[%swap3A_332, %swap3A_333], %broadcast_in_dim3A_2 {strides = array<i32>} : memref<16x2048xf32, #tpu.memory_space<vmem>>, vector<16xf32>,
      %swap3A_335 = arith.index_cast %scan3A_14 : i32 to index
      %swap3A_336 = arith.constant 1712 : index
      %swap3A_337 = tpu.vector_load %arg5[%swap3A_335, %swap3A_336] {strides = array<i32>} : memref<16x2048xf32, #tpu.memory_space<vmem>>, vector<16xf32>,
      tpu.vector_store %arg5[%swap3A_335, %swap3A_336], %broadcast_in_dim3A_2 {strides = array<i32>} : memref<16x2048xf32, #tpu.memory_space<vmem>>, vector<16xf32>,
      %swap3A_338 = arith.index_cast %scan3A_14 : i32 to index
      %swap3A_339 = arith.constant 1728 : index
      %swap3A_340 = tpu.vector_load %arg5[%swap3A_338, %swap3A_339] {strides = array<i32>} : memref<16x2048xf32, #tpu.memory_space<vmem>>, vector<16xf32>,
      tpu.vector_store %arg5[%swap3A_338, %swap3A_339], %broadcast_in_dim3A_2 {strides = array<i32>} : memref<16x2048xf32, #tpu.memory_space<vmem>>, vector<16xf32>,
      %swap3A_341 = arith.index_cast %scan3A_14 : i32 to index
      %swap3A_342 = arith.constant 1744 : index
      %swap3A_343 = tpu.vector_load %arg5[%swap3A_341, %swap3A_342] {strides = array<i32>} : memref<16x2048xf32, #tpu.memory_space<vmem>>, vector<16xf32>,
      tpu.vector_store %arg5[%swap3A_341, %swap3A_342], %broadcast_in_dim3A_2 {strides = array<i32>} : memref<16x2048xf32, #tpu.memory_space<vmem>>, vector<16xf32>,
      %swap3A_344 = arith.index_cast %scan3A_14 : i32 to index
      %swap3A_345 = arith.constant 1760 : index
      %swap3A_346 = tpu.vector_load %arg5[%swap3A_344, %swap3A_345] {strides = array<i32>} : memref<16x2048xf32, #tpu.memory_space<vmem>>, vector<16xf32>,
      tpu.vector_store %arg5[%swap3A_344, %swap3A_345], %broadcast_in_dim3A_2 {strides = array<i32>} : memref<16x2048xf32, #tpu.memory_space<vmem>>, vector<16xf32>,
      %swap3A_347 = arith.index_cast %scan3A_14 : i32 to index
      %swap3A_348 = arith.constant 1776 : index
      %swap3A_349 = tpu.vector_load %arg5[%swap3A_347, %swap3A_348] {strides = array<i32>} : memref<16x2048xf32, #tpu.memory_space<vmem>>, vector<16xf32>,
      tpu.vector_store %arg5[%swap3A_347, %swap3A_348], %broadcast_in_dim3A_2 {strides = array<i32>} : memref<16x2048xf32, #tpu.memory_space<vmem>>, vector<16xf32>,
      %swap3A_350 = arith.index_cast %scan3A_14 : i32 to index
      %swap3A_351 = arith.constant 1792 : index
      %swap3A_352 = tpu.vector_load %arg5[%swap3A_350, %swap3A_351] {strides = array<i32>} : memref<16x2048xf32, #tpu.memory_space<vmem>>, vector<16xf32>,
      tpu.vector_store %arg5[%swap3A_350, %swap3A_351], %broadcast_in_dim3A_2 {strides = array<i32>} : memref<16x2048xf32, #tpu.memory_space<vmem>>, vector<16xf32>,
      %swap3A_353 = arith.index_cast %scan3A_14 : i32 to index
      %swap3A_354 = arith.constant 1808 : index
      %swap3A_355 = tpu.vector_load %arg5[%swap3A_353, %swap3A_354] {strides = array<i32>} : memref<16x2048xf32, #tpu.memory_space<vmem>>, vector<16xf32>,
      tpu.vector_store %arg5[%swap3A_353, %swap3A_354], %broadcast_in_dim3A_2 {strides = array<i32>} : memref<16x2048xf32, #tpu.memory_space<vmem>>, vector<16xf32>,
      %swap3A_356 = arith.index_cast %scan3A_14 : i32 to index
      %swap3A_357 = arith.constant 1824 : index
      %swap3A_358 = tpu.vector_load %arg5[%swap3A_356, %swap3A_357] {strides = array<i32>} : memref<16x2048xf32, #tpu.memory_space<vmem>>, vector<16xf32>,
      tpu.vector_store %arg5[%swap3A_356, %swap3A_357], %broadcast_in_dim3A_2 {strides = array<i32>} : memref<16x2048xf32, #tpu.memory_space<vmem>>, vector<16xf32>,
      %swap3A_359 = arith.index_cast %scan3A_14 : i32 to index
      %swap3A_360 = arith.constant 1840 : index
      %swap3A_361 = tpu.vector_load %arg5[%swap3A_359, %swap3A_360] {strides = array<i32>} : memref<16x2048xf32, #tpu.memory_space<vmem>>, vector<16xf32>,
      tpu.vector_store %arg5[%swap3A_359, %swap3A_360], %broadcast_in_dim3A_2 {strides = array<i32>} : memref<16x2048xf32, #tpu.memory_space<vmem>>, vector<16xf32>,
      %swap3A_362 = arith.index_cast %scan3A_14 : i32 to index
      %swap3A_363 = arith.constant 1856 : index
      %swap3A_364 = tpu.vector_load %arg5[%swap3A_362, %swap3A_363] {strides = array<i32>} : memref<16x2048xf32, #tpu.memory_space<vmem>>, vector<16xf32>,
      tpu.vector_store %arg5[%swap3A_362, %swap3A_363], %broadcast_in_dim3A_2 {strides = array<i32>} : memref<16x2048xf32, #tpu.memory_space<vmem>>, vector<16xf32>,
      %swap3A_365 = arith.index_cast %scan3A_14 : i32 to index
      %swap3A_366 = arith.constant 1872 : index
      %swap3A_367 = tpu.vector_load %arg5[%swap3A_365, %swap3A_366] {strides = array<i32>} : memref<16x2048xf32, #tpu.memory_space<vmem>>, vector<16xf32>,
      tpu.vector_store %arg5[%swap3A_365, %swap3A_366], %broadcast_in_dim3A_2 {strides = array<i32>} : memref<16x2048xf32, #tpu.memory_space<vmem>>, vector<16xf32>,
      %swap3A_368 = arith.index_cast %scan3A_14 : i32 to index
      %swap3A_369 = arith.constant 1888 : index
      %swap3A_370 = tpu.vector_load %arg5[%swap3A_368, %swap3A_369] {strides = array<i32>} : memref<16x2048xf32, #tpu.memory_space<vmem>>, vector<16xf32>,
      tpu.vector_store %arg5[%swap3A_368, %swap3A_369], %broadcast_in_dim3A_2 {strides = array<i32>} : memref<16x2048xf32, #tpu.memory_space<vmem>>, vector<16xf32>,
      %swap3A_371 = arith.index_cast %scan3A_14 : i32 to index
      %swap3A_372 = arith.constant 1904 : index
      %swap3A_373 = tpu.vector_load %arg5[%swap3A_371, %swap3A_372] {strides = array<i32>} : memref<16x2048xf32, #tpu.memory_space<vmem>>, vector<16xf32>,
      tpu.vector_store %arg5[%swap3A_371, %swap3A_372], %broadcast_in_dim3A_2 {strides = array<i32>} : memref<16x2048xf32, #tpu.memory_space<vmem>>, vector<16xf32>,
      %swap3A_374 = arith.index_cast %scan3A_14 : i32 to index
      %swap3A_375 = arith.constant 1920 : index
      %swap3A_376 = tpu.vector_load %arg5[%swap3A_374, %swap3A_375] {strides = array<i32>} : memref<16x2048xf32, #tpu.memory_space<vmem>>, vector<16xf32>,
      tpu.vector_store %arg5[%swap3A_374, %swap3A_375], %broadcast_in_dim3A_2 {strides = array<i32>} : memref<16x2048xf32, #tpu.memory_space<vmem>>, vector<16xf32>,
      %swap3A_377 = arith.index_cast %scan3A_14 : i32 to index
      %swap3A_378 = arith.constant 1936 : index
      %swap3A_379 = tpu.vector_load %arg5[%swap3A_377, %swap3A_378] {strides = array<i32>} : memref<16x2048xf32, #tpu.memory_space<vmem>>, vector<16xf32>,
      tpu.vector_store %arg5[%swap3A_377, %swap3A_378], %broadcast_in_dim3A_2 {strides = array<i32>} : memref<16x2048xf32, #tpu.memory_space<vmem>>, vector<16xf32>,
      %swap3A_380 = arith.index_cast %scan3A_14 : i32 to index
      %swap3A_381 = arith.constant 1952 : index
      %swap3A_382 = tpu.vector_load %arg5[%swap3A_380, %swap3A_381] {strides = array<i32>} : memref<16x2048xf32, #tpu.memory_space<vmem>>, vector<16xf32>,
      tpu.vector_store %arg5[%swap3A_380, %swap3A_381], %broadcast_in_dim3A_2 {strides = array<i32>} : memref<16x2048xf32, #tpu.memory_space<vmem>>, vector<16xf32>,
      %swap3A_383 = arith.index_cast %scan3A_14 : i32 to index
      %swap3A_384 = arith.constant 1968 : index
      %swap3A_385 = tpu.vector_load %arg5[%swap3A_383, %swap3A_384] {strides = array<i32>} : memref<16x2048xf32, #tpu.memory_space<vmem>>, vector<16xf32>,
      tpu.vector_store %arg5[%swap3A_383, %swap3A_384], %broadcast_in_dim3A_2 {strides = array<i32>} : memref<16x2048xf32, #tpu.memory_space<vmem>>, vector<16xf32>,
      %swap3A_386 = arith.index_cast %scan3A_14 : i32 to index
      %swap3A_387 = arith.constant 1984 : index
      %swap3A_388 = tpu.vector_load %arg5[%swap3A_386, %swap3A_387] {strides = array<i32>} : memref<16x2048xf32, #tpu.memory_space<vmem>>, vector<16xf32>,
      tpu.vector_store %arg5[%swap3A_386, %swap3A_387], %broadcast_in_dim3A_2 {strides = array<i32>} : memref<16x2048xf32, #tpu.memory_space<vmem>>, vector<16xf32>,
      %swap3A_389 = arith.index_cast %scan3A_14 : i32 to index
      %swap3A_390 = arith.constant 2000 : index
      %swap3A_391 = tpu.vector_load %arg5[%swap3A_389, %swap3A_390] {strides = array<i32>} : memref<16x2048xf32, #tpu.memory_space<vmem>>, vector<16xf32>,
      tpu.vector_store %arg5[%swap3A_389, %swap3A_390], %broadcast_in_dim3A_2 {strides = array<i32>} : memref<16x2048xf32, #tpu.memory_space<vmem>>, vector<16xf32>,
      %swap3A_392 = arith.index_cast %scan3A_14 : i32 to index
      %swap3A_393 = arith.constant 2016 : index
      %swap3A_394 = tpu.vector_load %arg5[%swap3A_392, %swap3A_393] {strides = array<i32>} : memref<16x2048xf32, #tpu.memory_space<vmem>>, vector<16xf32>,
      tpu.vector_store %arg5[%swap3A_392, %swap3A_393], %broadcast_in_dim3A_2 {strides = array<i32>} : memref<16x2048xf32, #tpu.memory_space<vmem>>, vector<16xf32>,
      %swap3A_395 = arith.index_cast %scan3A_14 : i32 to index
      %swap3A_396 = arith.constant 2032 : index
      %swap3A_397 = tpu.vector_load %arg5[%swap3A_395, %swap3A_396] {strides = array<i32>} : memref<16x2048xf32, #tpu.memory_space<vmem>>, vector<16xf32>,
      tpu.vector_store %arg5[%swap3A_395, %swap3A_396], %broadcast_in_dim3A_2 {strides = array<i32>} : memref<16x2048xf32, #tpu.memory_space<vmem>>, vector<16xf32>,
    }
    %scan3A_7 = arith.constant 16 : i32
    %scan3A_8 = arith.constant 0 : i32
    %scan3A_9 = arith.constant 0 : i32
    %scan3A_10 = arith.constant 32 : i32
    %scan3A_11 = arith.addi %scan3A_9, %scan3A_10 : i32
    %scan3A_12 = arith.constant 1 : i32
    scf.for %scan3A_14 = %scan3A_9 to %scan3A_11 step %scan3A_12  : i32 {
      %mul3A_15 = arith.constant 32 : i32
      %mul3A_16 = arith.muli %mul3A_15, %scan3A_14 : i32
      %add3A_17 = arith.addi %add3A, %mul3A_16 : i32
      %jit3A = arith.constant 128 : i32
      %div3A = arith.divsi %add3A_17, %jit3A : i32
      %sign3A = arith.constant 0 : i32
      %sign3A_18 = arith.cmpi sgt, %add3A_17, %sign3A : i32
      %sign3A_19 = arith.extui %sign3A_18 : i1 to i32
      %sign3A_20 = arith.constant 0 : i32
      %sign3A_21 = arith.cmpi slt, %add3A_17, %sign3A_20 : i32
      %sign3A_22 = arith.extui %sign3A_21 : i1 to i32
      %sign3A_23 = arith.subi %sign3A_19, %sign3A_22 : i32
      %sign3A_24 = arith.constant 0 : i32
      %sign3A_25 = arith.cmpi sgt, %jit3A, %sign3A_24 : i32
      %sign3A_26 = arith.extui %sign3A_25 : i1 to i32
      %sign3A_27 = arith.constant 0 : i32
      %sign3A_28 = arith.cmpi slt, %jit3A, %sign3A_27 : i32
      %sign3A_29 = arith.extui %sign3A_28 : i1 to i32
      %sign3A_30 = arith.subi %sign3A_26, %sign3A_29 : i32
      %ne3A = arith.cmpi ne, %sign3A_23, %sign3A_30 : i32
      %rem3A = arith.remsi %add3A_17, %jit3A : i32
      %ne3A_31 = arith.constant 0 : i32
      %ne3A_32 = arith.cmpi ne, %rem3A, %ne3A_31 : i32
      %and3A = arith.andi %ne3A, %ne3A_32 : i1
      %sub3A = arith.constant 1 : i32
      %sub3A_33 = arith.subi %div3A, %sub3A : i32
      %select_n3A = arith.select %and3A, %sub3A_33, %div3A : i32
      %mul3A_34 = arith.constant 128 : i32
      %mul3A_35 = arith.muli %select_n3A, %mul3A_34 : i32
      %sub3A_36 = arith.subi %add3A_17, %mul3A_35 : i32
      %mul3A_37 = arith.constant 16 : i32
      %mul3A_38 = arith.muli %sub3A_36, %mul3A_37 : i32
      %eq3A = vector.broadcast %select_n3A : i32 to vector<16xi32>
      %eq3A_39 = arith.cmpi eq, %iota3A, %eq3A : vector<16xi32>
      %jit3A_40 = arith.constant 0.000000e+00 : f32
      %broadcast_in_dim3A_41 = vector.broadcast %jit3A_40 : f32 to vector<16xf32>
      %select_n3A_42 = arith.select %eq3A_39, %convert_element_type3A, %broadcast_in_dim3A_41 : vector<16xi1>, vector<16xf32>
      %reduce_sum3A = arith.constant true
      %reduce_sum3A_43 = vector.broadcast %reduce_sum3A : i1 to vector<16xi1>
      %reduce_sum3A_44 = tpu.scan <sum>, %select_n3A_42 masked %reduce_sum3A_43 : vector<16xf32>, vector<16xi1> -> vector<16xf32>
      %reduce_sum3A_45 = vector.extract %reduce_sum3A_44[15] : f32 from vector<16xf32>
      %convert_element_type3A_46 = arith.fptosi %reduce_sum3A_45 : f32 to i32
      %add3A_47 = arith.constant 512 : i32
      %add3A_48 = arith.addi %convert_element_type3A_46, %add3A_47 : i32
      %sub3A_49 = arith.constant 1 : i32
      %sub3A_50 = arith.subi %add3A_48, %sub3A_49 : i32
      %jit3A_51 = arith.constant 512 : i32
      %div3A_52 = arith.divsi %sub3A_50, %jit3A_51 : i32
      %sign3A_53 = arith.constant 0 : i32
      %sign3A_54 = arith.cmpi sgt, %sub3A_50, %sign3A_53 : i32
      %sign3A_55 = arith.extui %sign3A_54 : i1 to i32
      %sign3A_56 = arith.constant 0 : i32
      %sign3A_57 = arith.cmpi slt, %sub3A_50, %sign3A_56 : i32
      %sign3A_58 = arith.extui %sign3A_57 : i1 to i32
      %sign3A_59 = arith.subi %sign3A_55, %sign3A_58 : i32
      %sign3A_60 = arith.constant 0 : i32
      %sign3A_61 = arith.cmpi sgt, %jit3A_51, %sign3A_60 : i32
      %sign3A_62 = arith.extui %sign3A_61 : i1 to i32
      %sign3A_63 = arith.constant 0 : i32
      %sign3A_64 = arith.cmpi slt, %jit3A_51, %sign3A_63 : i32
      %sign3A_65 = arith.extui %sign3A_64 : i1 to i32
      %sign3A_66 = arith.subi %sign3A_62, %sign3A_65 : i32
      %ne3A_67 = arith.cmpi ne, %sign3A_59, %sign3A_66 : i32
      %rem3A_68 = arith.remsi %sub3A_50, %jit3A_51 : i32
      %ne3A_69 = arith.constant 0 : i32
      %ne3A_70 = arith.cmpi ne, %rem3A_68, %ne3A_69 : i32
      %and3A_71 = arith.andi %ne3A_67, %ne3A_70 : i1
      %sub3A_72 = arith.constant 1 : i32
      %sub3A_73 = arith.subi %div3A_52, %sub3A_72 : i32
      %select_n3A_74 = arith.select %and3A_71, %sub3A_73, %div3A_52 : i32
      %max3A = arith.constant 1 : i32
      %max3A_75 = arith.maxsi %select_n3A_74, %max3A : i32
      %mul3A_76 = arith.constant 512 : i32
      %mul3A_77 = arith.muli %mul3A_76, %max3A_75 : i32
      %ge3A = arith.cmpi sge, %mul3A_38, %mul3A_77 : i32
      %convert_element_type3A_78 = arith.extui %ge3A : i1 to i32
      %cond3A = arith.constant 0 : i32
      %cond3A_79 = arith.cmpi ne, %convert_element_type3A_78, %cond3A : i32
      scf.if %cond3A_79 {
        %mul3A_80 = arith.constant 16 : i32
        %mul3A_81 = arith.muli %add3A_17, %mul3A_80 : i32
        "tpu.region"() ({
          %run_scoped3A = tpu.sem_alloc : memref<!tpu.dma_semaphore, #tpu.memory_space<semaphore_mem>>
          %dma_start3A = arith.constant 0 : i32
          %dma_start3A_82 = tpu.memref_slice %arg3[%mul3A_81, %dma_start3A] : memref<16384x2048xf32, #tpu.memory_space<hbm>> -> memref<16x2048xf32, #tpu.memory_space<hbm>>
          %dma_start3A_83 = arith.constant 0 : i32
          %dma_start3A_84 = tpu.memref_slice %arg3[%mul3A_81, %dma_start3A_83] : memref<16384x2048xf32, #tpu.memory_space<hbm>> -> memref<16x2048xf32, #tpu.memory_space<hbm>>
          tpu.enqueue_dma source(%arg5 : memref<16x2048xf32, #tpu.memory_space<vmem>>) target(%dma_start3A_84 : memref<16x2048xf32, #tpu.memory_space<hbm>>) target_semaphore(%run_scoped3A : memref<!tpu.dma_semaphore, #tpu.memory_space<semaphore_mem>>)
          %dma_wait3A = arith.constant 0 : i32
          %dma_wait3A_85 = tpu.memref_slice %arg3[%mul3A_81, %dma_wait3A] : memref<16384x2048xf32, #tpu.memory_space<hbm>> -> memref<16x2048xf32, #tpu.memory_space<hbm>>
          %dma_wait3A_86 = arith.constant 0 : i32
          %dma_wait3A_87 = tpu.memref_slice %arg3[%mul3A_81, %dma_wait3A_86] : memref<16384x2048xf32, #tpu.memory_space<hbm>> -> memref<16x2048xf32, #tpu.memory_space<hbm>>
          tpu.wait_dma2 semaphore(%run_scoped3A : memref<!tpu.dma_semaphore, #tpu.memory_space<semaphore_mem>>) src(%arg5 : memref<16x2048xf32, #tpu.memory_space<vmem>>) dst(%dma_wait3A_87 : memref<16x2048xf32, #tpu.memory_space<hbm>>)
          tpu.yield
        }) : () -> ()
      } else {
      }
    }
    %scan3A_13 = arith.constant 32 : i32
    return
  }
}

module attributes {stable_mosaic.version = 14 : i64} {
  func.func @_tc_body(%arg0: i32, %arg1: i32, %arg2: memref<8xi32, #tpu.memory_space<smem>>, %arg3: memref<1x512x2048xf32, #tpu.memory_space<vmem>>, %arg4: memref<8x2048x2048xf32, #tpu.memory_space<hbm>>, %arg5: memref<1x512x2048xf32, #tpu.memory_space<vmem>>) attributes {dimension_semantics = [#tpu.dimension_semantics<arbitrary>, #tpu.dimension_semantics<arbitrary>], iteration_bounds = array<i64: 8, 4>, scalar_prefetch = 1 : i64, scratch_operands = 0 : i64, tpu.core_type = #tpu.core_type<tc>, window_params = [{transform_indices = @transform_0, window_bounds = array<i64: 1, 512, 2048>}, {}, {transform_indices = @transform_2, window_bounds = array<i64: 1, 512, 2048>}]} {
    %get3A = arith.index_cast %arg0 : i32 to index
    %get3A_0 = memref.load %arg2[%get3A] : memref<8xi32, #tpu.memory_space<smem>>
    %mul3A = arith.constant 512 : i32
    %mul3A_1 = arith.muli %arg1, %mul3A : i32
    %eq3A = arith.constant 0 : i32
    %eq3A_2 = arith.cmpi eq, %get3A_0, %eq3A : i32
    %eq3A_3 = arith.constant 0 : i32
    %eq3A_4 = arith.cmpi eq, %arg1, %eq3A_3 : i32
    %and3A = arith.andi %eq3A_2, %eq3A_4 : i1
    %convert_element_type3A = arith.extui %and3A : i1 to i32
    %cond3A = arith.constant 0 : i32
    %cond3A_5 = arith.cmpi ne, %convert_element_type3A, %cond3A : i32
    scf.if %cond3A_5 {
      %broadcast_in_dim3A = arith.constant 0.000000e+00 : f32
      %broadcast_in_dim3A_9 = vector.broadcast %broadcast_in_dim3A : f32 to vector<1x512x2048xf32>
      %swap3A = arith.constant 0 : index
      %swap3A_10 = arith.constant 0 : index
      %swap3A_11 = arith.constant 0 : index
      %swap3A_12 = vector.load %arg5[%swap3A, %swap3A_10, %swap3A_11] : memref<1x512x2048xf32, #tpu.memory_space<vmem>>, vector<1x512x2048xf32>
      tpu.vector_store %arg5[%swap3A, %swap3A_10, %swap3A_11], %broadcast_in_dim3A_9 {strides = array<i32>} : memref<1x512x2048xf32, #tpu.memory_space<vmem>>, vector<1x512x2048xf32>,
    } else {
    }
    %lt3A = arith.cmpi slt, %mul3A_1, %get3A_0 : i32
    %convert_element_type3A_6 = arith.extui %lt3A : i1 to i32
    %cond3A_7 = arith.constant 0 : i32
    %cond3A_8 = arith.cmpi ne, %convert_element_type3A_6, %cond3A_7 : i32
    scf.if %cond3A_8 {
      %get3A_9 = arith.constant 0 : index
      %get3A_10 = arith.constant 0 : index
      %get3A_11 = arith.constant 0 : index
      %get3A_12 = vector.load %arg3[%get3A_9, %get3A_10, %get3A_11] : memref<1x512x2048xf32, #tpu.memory_space<vmem>>, vector<1x512x2048xf32>
      %get3A_13 = vector.shape_cast %get3A_12 : vector<1x512x2048xf32> to vector<512x2048xf32>
      %mul3A_14 = arith.mulf %get3A_13, %get3A_13 : vector<512x2048xf32>
      %reduce_sum3A = arith.constant dense<0.000000e+00> : vector<512xf32>
      %reduce_sum3A_15 = vector.multi_reduction <add>, %mul3A_14, %reduce_sum3A [1] : vector<512x2048xf32> to vector<512xf32>
      %broadcast_in_dim3A = vector.shape_cast %reduce_sum3A_15 : vector<512xf32> to vector<512x1xf32>
      %sqrt3A = math.sqrt %broadcast_in_dim3A : vector<512x1xf32>
      %max3A = arith.constant 9.99999996E-13 : f32
      %max3A_16 = vector.broadcast %max3A : f32 to vector<512x1xf32>
      %max3A_17 = arith.maximumf %sqrt3A, %max3A_16 : vector<512x1xf32>
      %div3A = arith.constant 1.000000e+00 : f32
      %div3A_18 = vector.broadcast %div3A : f32 to vector<512x1xf32>
      %div3A_19 = arith.divf %div3A_18, %max3A_17 : vector<512x1xf32>
      %mul3A_20 = vector.broadcast %div3A_19 : vector<512x1xf32> to vector<512x2048xf32>
      %mul3A_21 = arith.mulf %get3A_13, %mul3A_20 : vector<512x2048xf32>
      %exp3A = math.exp %mul3A_21 : vector<512x2048xf32>
      %reduce_sum3A_22 = arith.constant dense<0.000000e+00> : vector<512xf32>
      %reduce_sum3A_23 = vector.multi_reduction <add>, %exp3A, %reduce_sum3A_22 [1] : vector<512x2048xf32> to vector<512xf32>
      %broadcast_in_dim3A_24 = vector.shape_cast %reduce_sum3A_23 : vector<512xf32> to vector<512x1xf32>
      %div3A_25 = vector.broadcast %broadcast_in_dim3A_24 : vector<512x1xf32> to vector<512x2048xf32>
      %div3A_26 = arith.divf %exp3A, %div3A_25 : vector<512x2048xf32>
      %add3A = arith.constant 512 : i32
      %add3A_27 = arith.addi %mul3A_1, %add3A : i32
      %gt3A = arith.cmpi sgt, %add3A_27, %get3A_0 : i32
      %convert_element_type3A_28 = arith.extui %gt3A : i1 to i32
      %cond3A_29 = arith.constant 0 : i32
      %cond3A_30 = arith.cmpi ne, %convert_element_type3A_28, %cond3A_29 : i32
      scf.if %cond3A_30 {
        %iota3A = tpu.iota {dimensions = array<i32: 0>} : vector<512x2048xi32>
        %add3A_36 = vector.broadcast %mul3A_1 : i32 to vector<512x2048xi32>
        %add3A_37 = arith.addi %iota3A, %add3A_36 : vector<512x2048xi32>
        %lt3A_38 = vector.broadcast %get3A_0 : i32 to vector<512x2048xi32>
        %lt3A_39 = arith.cmpi slt, %add3A_37, %lt3A_38 : vector<512x2048xi32>
        %jit3A = arith.constant 0.000000e+00 : f32
        %broadcast_in_dim3A_40 = vector.broadcast %jit3A : f32 to vector<512x2048xf32>
        %select_n3A = arith.select %lt3A_39, %div3A_26, %broadcast_in_dim3A_40 : vector<512x2048xi1>, vector<512x2048xf32>
        %swap3A = arith.constant 0 : index
        %swap3A_41 = arith.constant 0 : index
        %swap3A_42 = arith.constant 0 : index
        %swap3A_43 = vector.load %arg5[%swap3A, %swap3A_41, %swap3A_42] : memref<1x512x2048xf32, #tpu.memory_space<vmem>>, vector<1x512x2048xf32>
        %swap3A_44 = vector.shape_cast %swap3A_43 : vector<1x512x2048xf32> to vector<512x2048xf32>
        %swap3A_45 = vector.shape_cast %select_n3A : vector<512x2048xf32> to vector<1x512x2048xf32>
        tpu.vector_store %arg5[%swap3A, %swap3A_41, %swap3A_42], %swap3A_45 {strides = array<i32>} : memref<1x512x2048xf32, #tpu.memory_space<vmem>>, vector<1x512x2048xf32>,
      } else {
      }
      %add3A_31 = arith.constant 512 : i32
      %add3A_32 = arith.addi %mul3A_1, %add3A_31 : i32
      %le3A = arith.cmpi sle, %add3A_32, %get3A_0 : i32
      %convert_element_type3A_33 = arith.extui %le3A : i1 to i32
      %cond3A_34 = arith.constant 0 : i32
      %cond3A_35 = arith.cmpi ne, %convert_element_type3A_33, %cond3A_34 : i32
      scf.if %cond3A_35 {
        %swap3A = arith.constant 0 : index
        %swap3A_36 = arith.constant 0 : index
        %swap3A_37 = arith.constant 0 : index
        %swap3A_38 = vector.load %arg5[%swap3A, %swap3A_36, %swap3A_37] : memref<1x512x2048xf32, #tpu.memory_space<vmem>>, vector<1x512x2048xf32>
        %swap3A_39 = vector.shape_cast %swap3A_38 : vector<1x512x2048xf32> to vector<512x2048xf32>
        %swap3A_40 = vector.shape_cast %div3A_26 : vector<512x2048xf32> to vector<1x512x2048xf32>
        tpu.vector_store %arg5[%swap3A, %swap3A_36, %swap3A_37], %swap3A_40 {strides = array<i32>} : memref<1x512x2048xf32, #tpu.memory_space<vmem>>, vector<1x512x2048xf32>,
      } else {
      }
    } else {
    }
    return
  }
  func.func @transform_0(%arg0: i32, %arg1: i32, %arg2: memref<8xi32, #tpu.memory_space<smem>>) -> (i32, i32, i32) {
    %get3A = arith.index_cast %arg0 : i32 to index
    %get3A_0 = memref.load %arg2[%get3A] : memref<8xi32, #tpu.memory_space<smem>>
    %add3A = arith.constant 512 : i32
    %add3A_1 = arith.addi %get3A_0, %add3A : i32
    %sub3A = arith.constant 1 : i32
    %sub3A_2 = arith.subi %add3A_1, %sub3A : i32
    %jit3A = arith.constant 512 : i32
    %div3A = arith.divsi %sub3A_2, %jit3A : i32
    %sign3A = arith.constant 0 : i32
    %sign3A_3 = arith.cmpi sgt, %sub3A_2, %sign3A : i32
    %sign3A_4 = arith.extui %sign3A_3 : i1 to i32
    %sign3A_5 = arith.constant 0 : i32
    %sign3A_6 = arith.cmpi slt, %sub3A_2, %sign3A_5 : i32
    %sign3A_7 = arith.extui %sign3A_6 : i1 to i32
    %sign3A_8 = arith.subi %sign3A_4, %sign3A_7 : i32
    %sign3A_9 = arith.constant 0 : i32
    %sign3A_10 = arith.cmpi sgt, %jit3A, %sign3A_9 : i32
    %sign3A_11 = arith.extui %sign3A_10 : i1 to i32
    %sign3A_12 = arith.constant 0 : i32
    %sign3A_13 = arith.cmpi slt, %jit3A, %sign3A_12 : i32
    %sign3A_14 = arith.extui %sign3A_13 : i1 to i32
    %sign3A_15 = arith.subi %sign3A_11, %sign3A_14 : i32
    %ne3A = arith.cmpi ne, %sign3A_8, %sign3A_15 : i32
    %rem3A = arith.remsi %sub3A_2, %jit3A : i32
    %ne3A_16 = arith.constant 0 : i32
    %ne3A_17 = arith.cmpi ne, %rem3A, %ne3A_16 : i32
    %and3A = arith.andi %ne3A, %ne3A_17 : i1
    %sub3A_18 = arith.constant 1 : i32
    %sub3A_19 = arith.subi %div3A, %sub3A_18 : i32
    %select_n3A = arith.select %and3A, %sub3A_19, %div3A : i32
    %sub3A_20 = arith.constant 1 : i32
    %sub3A_21 = arith.subi %select_n3A, %sub3A_20 : i32
    %max3A = arith.constant 0 : i32
    %max3A_22 = arith.maxsi %sub3A_21, %max3A : i32
    %min3A = arith.minsi %arg1, %max3A_22 : i32
    %c0_i32 = arith.constant 0 : i32
    %c0_i32_23 = arith.constant 0 : i32
    return %arg0, %min3A, %c0_i32 : i32, i32, i32
  }
  func.func @transform_2(%arg0: i32, %arg1: i32, %arg2: memref<8xi32, #tpu.memory_space<smem>>) -> (i32, i32, i32) {
    %get3A = arith.index_cast %arg0 : i32 to index
    %get3A_0 = memref.load %arg2[%get3A] : memref<8xi32, #tpu.memory_space<smem>>
    %add3A = arith.constant 512 : i32
    %add3A_1 = arith.addi %get3A_0, %add3A : i32
    %sub3A = arith.constant 1 : i32
    %sub3A_2 = arith.subi %add3A_1, %sub3A : i32
    %jit3A = arith.constant 512 : i32
    %div3A = arith.divsi %sub3A_2, %jit3A : i32
    %sign3A = arith.constant 0 : i32
    %sign3A_3 = arith.cmpi sgt, %sub3A_2, %sign3A : i32
    %sign3A_4 = arith.extui %sign3A_3 : i1 to i32
    %sign3A_5 = arith.constant 0 : i32
    %sign3A_6 = arith.cmpi slt, %sub3A_2, %sign3A_5 : i32
    %sign3A_7 = arith.extui %sign3A_6 : i1 to i32
    %sign3A_8 = arith.subi %sign3A_4, %sign3A_7 : i32
    %sign3A_9 = arith.constant 0 : i32
    %sign3A_10 = arith.cmpi sgt, %jit3A, %sign3A_9 : i32
    %sign3A_11 = arith.extui %sign3A_10 : i1 to i32
    %sign3A_12 = arith.constant 0 : i32
    %sign3A_13 = arith.cmpi slt, %jit3A, %sign3A_12 : i32
    %sign3A_14 = arith.extui %sign3A_13 : i1 to i32
    %sign3A_15 = arith.subi %sign3A_11, %sign3A_14 : i32
    %ne3A = arith.cmpi ne, %sign3A_8, %sign3A_15 : i32
    %rem3A = arith.remsi %sub3A_2, %jit3A : i32
    %ne3A_16 = arith.constant 0 : i32
    %ne3A_17 = arith.cmpi ne, %rem3A, %ne3A_16 : i32
    %and3A = arith.andi %ne3A, %ne3A_17 : i1
    %sub3A_18 = arith.constant 1 : i32
    %sub3A_19 = arith.subi %div3A, %sub3A_18 : i32
    %select_n3A = arith.select %and3A, %sub3A_19, %div3A : i32
    %sub3A_20 = arith.constant 1 : i32
    %sub3A_21 = arith.subi %select_n3A, %sub3A_20 : i32
    %max3A = arith.constant 0 : i32
    %max3A_22 = arith.maxsi %sub3A_21, %max3A : i32
    %min3A = arith.minsi %arg1, %max3A_22 : i32
    %c0_i32 = arith.constant 0 : i32
    %c0_i32_23 = arith.constant 0 : i32
    return %arg0, %min3A, %c0_i32 : i32, i32, i32
  }
}

</mosaic_0001>

<sc_bundles>
// kernel: kernel.4.cloned.1.call-start
scs
__scs_entry_jumppad:
0x0: {  	(pc) =	sbr.rel $0x88, $3  }
0x1: {  	(tag) =	ssettag $0x0;
	lr =	simm.s32 $0x1  }
0x2: {  	[smem:$0x3F9F] =	sst lr;
	_ =	strace $0xD0000000  }
0x3: {  	_ = 	snop  }
0x4: {  	_ = 	snop  }
0x5: {  	_ = 	snop  }
0x6: {  	_ = 	snop  }
0x7: {  	_ = 	snop  }
__scs_overlays_trampoline_lowered:
0x8: {  	[smem:$0x3FAE] =	sst s0  }
0x9: {  	[smem:$0x3FAF] =	sst s1  }
0xa: {  	[smem:$0x3FB0] =	sst s2  }
0xb: {  	[smem:$0x3FB1] =	sst s3  }
0xc: {  	[smem:$0x3FB2] =	sst s4  }
0xd: {  	[smem:$0x3FB3] =	sst s5  }
0xe: {  	[smem:$0x3FB4] =	sst s6  }
0xf: {  	[smem:$0x3FB5] =	sst s7  }
0x10: {  	[smem:$0x3FB6] =	sst s8  }
0x11: {  	[smem:$0x3FB7] =	sst s9;
	s0 =	simm.s32 @!p0 $0x0  }
0x12: {  	s1 =	sld [smem:$0x3F9D];
	s0 =	simm.s32 @p0 $0x1  }
0x13: {  	[smem:$0x3FB8] =	sst s0;
	s0 =	simm.s32 @!p1 $0x0  }
0x14: {  	s2 =	sld [smem:$0x3F9C];
	s0 =	simm.s32 @p1 $0x1  }
0x15: {  	[smem:$0x3FB9] =	sst s0;
	s0 =	simm.s32 @!p2 $0x0  }
0x16: {  	s3 =	sld [smem:$0x3FDB];
	s0 =	simm.s32 @p2 $0x1  }
0x17: {  	s4 =	simm.s32 $0x1BF5;
	[smem:$0x3FBB] =	sst s0  }
0x18: {  	s0 =	sld [smem:$0x3F9E];
	_ =	swait.ge [sflag:s4], $0x0  }
0x19: {  	s7 =	sld [smem:$0x3F9F]  }
0x1a: {  	s8 =	sadd.s32 $0xFFFFE003, lr  }
0x1b: {  	s9 =	sadd.s32 $0xFFFFFEF7, lr;
	s5 =	simm.s32 $0xFFFFFFFF;
	p2 =	slt.u32 s8, $0xFFFFF086  }
0x1c: {  	p1 =	slt.u32 s9, $0xF7A;
	s5 =	simm.s32 @!p2 $0x0  }
0x1d: {  	s5 =	simm.s32 @p1 $0x1;
	p0 =	seq.s32 s7, s2  }
0x1e: {  	s7 =	smul.u32 @!p0 $0xF7A, s2;
	p2 =	seq.s32 @!p0 s5, $0x0  }
0x1f: {  	s9 =	smul.u32 $0xF7A, s1;
	s8 =	simm.s32 @!p0 $0x1BF5;
	p2 =	por !p2, p0  }
0x20: {  	[sflag:s8] =	ssyncset.s32 @!p0 $0xFFFFF086;
	s6 =	sadd.s32 @!p0 s3, s7;
	s7 =	simm.s32 @!p0 $0x108  }
0x21: {  	s3 =	sadd.s32 s3, s9;
	s6 =	sadd.s32 @!p0 $0x88, s6;
	s7 =	simm.s32 @p2 $0x1082  }
0x22: {  	[simem:s7], [sflag:s8] =	dma.local @!p0 [hbm:s6], $0xF7A  }
0x23: {  	s9 =	sor.u32 $0xD0000000, s2;
	s6 =	simm.s32 $0x108;
	_ =	swait.ge @!p0 [sflag:s8], $0x0  }
0x24: {  	s3 =	sadd.s32 $0x88, s3;
	s6 =	simm.s32 @!p1 $0x1082;
	[sflag:s4] =	ssyncset.s32 $0xFFFFF086  }
0x25: {  	[simem:s6], [sflag:s4] =	dma.local [hbm:s3], $0xF7A  }
0x26: {  	[smem:$0x3F9F] =	sst s1;
	(tag) =	ssettag s2;
	_ =	strace s9  }
0x27: {  	s1 =	sld [smem:$0x3FAF]  }
0x28: {  	s2 =	sld [smem:$0x3FB0]  }
0x29: {  	s4 =	sld [smem:$0x3FB2]  }
0x2a: {  	p0 =	seq.s32 s5, $0x0;
	s5 =	sld [smem:$0x3FB3]  }
0x2b: {  	s6 =	sld [smem:$0x3FB4]  }
0x2c: {  	s7 =	sld [smem:$0x3FB5]  }
0x2d: {  	s3 =	simm.s32 $0x108;
	s8 =	sld [smem:$0x3FB6]  }
0x2e: {  	s3 =	simm.s32 @!p0 $0x1082;
	s9 =	sld [smem:$0x3FB7]  }
0x2f: {  	lr =	sadd.s32 s0, s3;
	s0 =	sld [smem:$0x3FAE]  }
0x30: {  	s3 =	sld [smem:$0x3FB1]  }
0x31: {  	[smem:$0x3FBA] =	sst s10  }
0x32: {  	s10 =	sld [smem:$0x3FB8];
	_ =	sdelay $0x3  }
0x33: {  	p0 =	seq.s32 s10, $0x1;
	s10 =	sld [smem:$0x3FBA];
	_ =	sdelay $0x3  }
0x34: {  	[smem:$0x3FBA] =	sst s10  }
0x35: {  	s10 =	sld [smem:$0x3FB9];
	_ =	sdelay $0x3  }
0x36: {  	p1 =	seq.s32 s10, $0x1;
	s10 =	sld [smem:$0x3FBA];
	_ =	sdelay $0x3  }
0x37: {  	[smem:$0x3FBA] =	sst s10  }
0x38: {  	s10 =	sld [smem:$0x3FBB]  }
0x39: {  	_ = 	snop;
	(pc) =	sbr.ind lr, $3  }
0x3a: {  	_ = 	snop  }
0x3b: {  	_ = 	snop  }
0x3c: {  	p2 =	seq.s32 s10, $0x1;
	s10 =	sld [smem:$0x3FBA]  }
0x3d: {  	_ =	shalt  }
0x3e: {  	_ =	shalt  }
0x3f: {  	_ =	shalt  }
0x40: {  	_ =	shalt  }
0x41: {  	_ =	shalt  }
0x42: {  	_ =	shalt  }
0x43: {  	_ =	shalt  }
0x44: {  	_ =	shalt  }
0x45: {  	_ =	shalt  }
0x46: {  	_ =	shalt  }
0x47: {  	_ =	shalt  }
0x48: {  	_ =	shalt  }
0x49: {  	_ =	shalt  }
0x4a: {  	_ =	shalt  }
0x4b: {  	_ =	shalt  }
0x4c: {  	_ =	shalt  }
0x4d: {  	_ =	shalt  }
0x4e: {  	_ =	shalt  }
0x4f: {  	_ =	shalt  }
0x50: {  	_ =	shalt  }
0x51: {  	_ =	shalt  }
0x52: {  	_ =	shalt  }
0x53: {  	_ =	shalt  }
0x54: {  	_ =	shalt  }
0x55: {  	_ =	shalt  }
0x56: {  	_ =	shalt  }
0x57: {  	_ =	shalt  }
0x58: {  	_ =	shalt  }
0x59: {  	_ =	shalt  }
0x5a: {  	_ =	shalt  }
0x5b: {  	_ =	shalt  }
0x5c: {  	_ =	shalt  }
0x5d: {  	_ =	shalt  }
0x5e: {  	_ =	shalt  }
0x5f: {  	_ =	shalt  }
0x60: {  	_ =	shalt  }
0x61: {  	_ =	shalt  }
0x62: {  	_ =	shalt  }
0x63: {  	_ =	shalt  }
0x64: {  	_ =	shalt  }
0x65: {  	_ =	shalt  }
0x66: {  	_ =	shalt  }
0x67: {  	_ =	shalt  }
0x68: {  	_ =	shalt  }
0x69: {  	_ =	shalt  }
0x6a: {  	_ =	shalt  }
0x6b: {  	_ =	shalt  }
0x6c: {  	_ =	shalt  }
0x6d: {  	_ =	shalt  }
0x6e: {  	_ =	shalt  }
0x6f: {  	_ =	shalt  }
0x70: {  	_ =	shalt  }
0x71: {  	_ =	shalt  }
0x72: {  	_ =	shalt  }
0x73: {  	_ =	shalt  }
0x74: {  	_ =	shalt  }
0x75: {  	_ =	shalt  }
0x76: {  	_ =	shalt  }
0x77: {  	_ =	shalt  }
0x78: {  	_ =	shalt  }
0x79: {  	_ =	shalt  }
0x7a: {  	_ =	shalt  }
0x7b: {  	_ =	shalt  }
0x7c: {  	_ =	shalt  }
0x7d: {  	_ =	shalt  }
0x7e: {  	_ =	shalt  }
0x7f: {  	_ =	shalt  }
0x80: {  	_ =	shalt  }
0x81: {  	_ =	shalt  }
0x82: {  	_ =	shalt  }
0x83: {  	_ =	shalt  }
0x84: {  	_ =	shalt  }
0x85: {  	_ =	shalt  }
0x86: {  	_ =	shalt  }
0x87: {  	_ =	shalt  }
.Lfunc_end0:
.L_simem_size_0:
called_computation_lowered:
.L_overlay_start_0:
0x88: {  	s2 =	sld [smem:$0x3FD9]  }
0x89: {  	s3 =	sld [smem:$0x3FFE];
	_ =	sdelay $0x1  }
0x8a: {  	s1 =	srdreg.scid  }
0x8b: {  	s0 =	sand.u32 $0x1, s1  }
0x8c: {  	s17 =	sshll.u32 s0, $0xA;
	s2 =	sadd.s32 s3, s2  }
0x8d: {  	s2 =	sadd.s32 s2, s17  }
0x8e: {  	[smem:$0x3FC6] =	sst s2  }
0x8f: {  	_ = 	snop  }
0x90: {  	s2 =	sld [smem:$0x3FD0];
	(tm) =	ssettm $0x1  }
0x91: {  	s18 =	sld [smem:$0x3FFB];
	_ =	sdelay $0x3  }
0x92: {  	_ =	strace s18  }
0x93: {  	s3 =	sld [smem:$0x3FFC];
	_ =	sdelay $0x3  }
0x94: {  	_ =	strace s3  }
0x95: {  	s3 =	sld [smem:$0x3FFD];
	_ =	sdelay $0x3  }
0x96: {  	_ =	strace s3  }
0x97: {  	_ =	strace $0x8FFFFFFF  }
0x98: {  	s19 =	sld [smem:$0x3FDB];
	_ =	sdelay $0x1  }
0x99: {  	s4 =	simm.s32 $_scs_section_size  }
0x9a: {  	s5 =	simm.s32 $_size__tile_overlayer_lowered;
	s6 =	simm.s32 $_tile_overlayer_lowered  }
0x9b: {  	s22 =	simm.s32 $0x1BFF;
	s21 =	sshll.u32 s6, $0x1;
	s3 =	sadd.s32 s4, s19  }
0x9c: {  	s7 =	simm.s32 $0x0;
	s20 =	sshll.u32 s5, $0x1;
	s5 =	sadd.s32 s21, s3  }
0x9d: {  	[timem:s7], [sflag:s22] =	dma.local [hbm:s5], s20  }
0x9e: {  	_ =	swait.ge [sflag:s22], s20  }
0x9f: {  	s4 =	ssub.s32 $0x0, s20;
	[sflag:s22] =	ssyncset.done $0x0  }
0xa0: {  	[sflag:s22] =	ssyncadd.s32 s4;
	_ =	sdelay $0x1  }
0xa1: {  	s23 =	simm.s32 $0x1B8B  }
0xa2: {  	_ =	swait.ge [sflag:s23], $0x1  }
0xa3: {  	[sflag:s23] =	ssyncset.done $0x0  }
0xa4: {  	s25 =	simm.s32 $0x1B8E;
	s24 =	sld [smem:$0x3FFE];
	[sflag:s23] =	ssyncadd.s32 $0xFFFFFFFF  }
0xa5: {  	s26 =	simm.s32 $execute0_lowered;
	[smem:$0x3FD2] =	sst s25  }
0xa6: {  	s5 =	sshll.u32 s26, $0x1;
	_ =	strace $0x80000046;
	[dreg:$0x1] =	wrdreg $0xFFFFFFFF  }
0xa7: {  	s28 =	simm.s32 $_size_execute0_lowered;
	s3 =	sadd.s32 s3, s5;
	[dreg:$0x0] =	wrdreg $0x0  }
0xa8: {  	s5 =	sshll.u32 s28, $0x1;
	[dreg:$0x2] =	wrdreg s3  }
0xa9: {  	[dreg:$0x3] =	wrdreg s5  }
0xaa: {  	[dreg:$0x4] =	wrdreg $0xC0  }
0xab: {  	_ =	task [dreg:s7], $0x5FFFF  }
0xac: {  	[dreg:$0x1] =	wrdreg $0xFFFFFFFF  }
0xad: {  	[dreg:$0x0] =	wrdreg $0x60  }
0xae: {  	[dreg:$0x2] =	wrdreg s24  }
0xaf: {  	[dreg:$0x3] =	wrdreg s2  }
0xb0: {  	[dreg:$0x4] =	wrdreg $0x9  }
0xb1: {  	_ =	task.clear_ibuf [dreg:s7], $0x5FFFF;
	_ =	strace $0x90000046  }
0xb2: {  	s29 =	simm.s32 $0x9;
	_ =	strace $0x80000048  }
0xb3: {  	_ =	swait.ge [sflag:s29], $0x1  }
0xb4: {  	[sflag:s29] =	ssyncadd.s32 $0xFFFFFFFF  }
0xb5: {  	_ =	strace $0x90000048  }
0xb6: {  	_ =	sfence  }
0xb7: {  	s30 =	sld [smem:$0x0];
	_ =	sdelay $0x2  }
0xb8: {  	s31 =	sshll.u32 s1, $0xD;
	s1 =	sshrl.u32 s1, $0x2  }
0xb9: {  	s3 =	sand.u32 $0x4000, s31;
	s1 =	sadd.s32 s1, s30  }
0xba: {  	s0 =	sor.u32 s3, s0;
	s1 =	sshll.u32 s1, $0x11  }
0xbb: {  	s0 =	sor.u32 s1, s0  }
0xbc: {  	s0 =	sadd.s32 $0x8F2B, s0  }
0xbd: {  	[sflag:s0] =	ssyncadd.remote.s32 $0x1  }
0xbe: {  	_ =	sfence.sel $0xFFFF  }
0xbf: {  	[dreg:$0x0] =	wrdreg $0xFFFFFFFF;
	(pc) =	sbr.abs _section_cstart, $3  }
0xc0: {  	[dreg:$0x1] =	wrdreg $0xFFFFFFFF  }
0xc1: {  	_ =	task.clear_ibuf [dreg:s7], $0x2FFFF;
	_ =	strace $0x9FFFFFFF  }
0xc2: {  	(tm) =	ssettm $0x7FFFFFFF  }
0xc3: {  	_ =	shalt  }
tec
execute0_lowered:
.L_overlay_start_1:
0x0: {  	(tag) =	ssettag $0x1  }
0x1: {  	s3 =	rddreg [dreg:$0x0]  }
0x2: {  	s5 =	rddreg [dreg:$0x1]  }
0x3: {  	s2 =	srdreg.scid;
	s0 =	rddreg [dreg:$0x2];
	s1 =	simm.s32 $0x0  }
0x4: {  	s8 =	simm.s32 $0x0;
	s6 =	sand.u32 $0x1, s2;
	[smem:$0x7FF] =	sst s1  }
0x5: {  	s2 =	stileid.u32;
	s3 =	sadd.s32 $0x600, s3;
	s4 =	ssub.s32 $0x2, s6  }
0x6: {  	_ =	strace $0x80000047;
	s29 =	sshll.u32 s2, $0xD;
	s30 =	sshll.u32 s6, $0xC  }
0x7: {  	s31 =	sshll.u32 s2, $0x5;
	s6 =	sshll.u32 s6, $0x4;
	s7 =	sshrl.u32 s4, $0x1  }
0x8: {  	s5 =	sadd.s32 s29, s5;
	s6 =	sor.u32 s6, s31;
	s4 =	ssub.s32 s4, s7  }
0x9: {  	v0 =	vimm.f32 $0.0e+00;
	v1 =	vlaneseq.u32;
	s5 =	sadd.s32 s30, s5;
	s7 =	simm.s32 $0x1;
	s4 =	smax.u32 s4, $0x1  }
.LBB2_1:
0xa: {  	[tilespmem:s1], [sflag:$0x1] =	stream.linear.gather [hbm4b:s3+s1], $0x80, $0x38;
	[tilespmem:$0x8080] =	vst v63  }
0xb: {  	_ =	swait.ge [sflag:s7], $0x80  }
0xc: {  	[sflag:s7] =	ssyncset.done $0x0  }
0xd: {  	s9 =	simm.s32 $0xFFFF8000;
	[sflag:s7] =	ssyncadd.s32 $0xFFFFFF80  }
0xe: {  	s10 =	simm.s32 $0x0;
	s11 =	simm.s32 $0x0;
	s12 =	simm.s32 $0x0;
	v2 =	vld [tilespmem:$0x0]  }
.LBB2_2:
0xf: {  	s13 =	sadd.s32 $0x8000, s9  }
0x10: {  	s14 =	sand.u32 $0x380, s12;
	s13 =	sand.u32 $0x4000, s13  }
0x11: {  	s13 =	sor.u32 s14, s13  }
0x12: {  	[tilespmem:s13+$0x80] =	vst v0  }
0x13: {  	[tilespmem:s13+$0x90] =	vst v0  }
0x14: {  	[tilespmem:s13+$0xA0] =	vst v0  }
0x15: {  	[tilespmem:s13+$0xB0] =	vst v0  }
0x16: {  	[tilespmem:s13+$0xC0] =	vst v0  }
0x17: {  	[tilespmem:s13+$0xD0] =	vst v0  }
0x18: {  	[tilespmem:s13+$0xE0] =	vst v0  }
0x19: {  	[tilespmem:s13+$0xF0] =	vst v0  }
0x1a: {  	[tilespmem:s13+$0x480] =	vst v0  }
0x1b: {  	[tilespmem:s13+$0x490] =	vst v0  }
0x1c: {  	[tilespmem:s13+$0x4A0] =	vst v0  }
0x1d: {  	[tilespmem:s13+$0x4B0] =	vst v0  }
0x1e: {  	[tilespmem:s13+$0x4C0] =	vst v0  }
0x1f: {  	[tilespmem:s13+$0x4D0] =	vst v0  }
0x20: {  	[tilespmem:s13+$0x4E0] =	vst v0  }
0x21: {  	[tilespmem:s13+$0x4F0] =	vst v0  }
0x22: {  	[tilespmem:s13+$0x880] =	vst v0  }
0x23: {  	[tilespmem:s13+$0x890] =	vst v0  }
0x24: {  	[tilespmem:s13+$0x8A0] =	vst v0  }
0x25: {  	[tilespmem:s13+$0x8B0] =	vst v0  }
0x26: {  	[tilespmem:s13+$0x8C0] =	vst v0  }
0x27: {  	[tilespmem:s13+$0x8D0] =	vst v0  }
0x28: {  	[tilespmem:s13+$0x8E0] =	vst v0  }
0x29: {  	[tilespmem:s13+$0x8F0] =	vst v0  }
0x2a: {  	[tilespmem:s13+$0xC80] =	vst v0  }
0x2b: {  	[tilespmem:s13+$0xC90] =	vst v0  }
0x2c: {  	[tilespmem:s13+$0xCA0] =	vst v0  }
0x2d: {  	[tilespmem:s13+$0xCB0] =	vst v0  }
0x2e: {  	[tilespmem:s13+$0xCC0] =	vst v0  }
0x2f: {  	[tilespmem:s13+$0xCD0] =	vst v0  }
0x30: {  	[tilespmem:s13+$0xCE0] =	vst v0  }
0x31: {  	[tilespmem:s13+$0xCF0] =	vst v0  }
0x32: {  	[tilespmem:s13+$0x1080] =	vst v0  }
0x33: {  	[tilespmem:s13+$0x1090] =	vst v0  }
0x34: {  	[tilespmem:s13+$0x10A0] =	vst v0  }
0x35: {  	[tilespmem:s13+$0x10B0] =	vst v0  }
0x36: {  	[tilespmem:s13+$0x10C0] =	vst v0  }
0x37: {  	[tilespmem:s13+$0x10D0] =	vst v0  }
0x38: {  	[tilespmem:s13+$0x10E0] =	vst v0  }
0x39: {  	[tilespmem:s13+$0x10F0] =	vst v0  }
0x3a: {  	[tilespmem:s13+$0x1480] =	vst v0  }
0x3b: {  	[tilespmem:s13+$0x1490] =	vst v0  }
0x3c: {  	[tilespmem:s13+$0x14A0] =	vst v0  }
0x3d: {  	[tilespmem:s13+$0x14B0] =	vst v0  }
0x3e: {  	[tilespmem:s13+$0x14C0] =	vst v0  }
0x3f: {  	[tilespmem:s13+$0x14D0] =	vst v0  }
0x40: {  	[tilespmem:s13+$0x14E0] =	vst v0  }
0x41: {  	[tilespmem:s13+$0x14F0] =	vst v0  }
0x42: {  	[tilespmem:s13+$0x1880] =	vst v0  }
0x43: {  	[tilespmem:s13+$0x1890] =	vst v0  }
0x44: {  	[tilespmem:s13+$0x18A0] =	vst v0  }
0x45: {  	[tilespmem:s13+$0x18B0] =	vst v0  }
0x46: {  	[tilespmem:s13+$0x18C0] =	vst v0  }
0x47: {  	[tilespmem:s13+$0x18D0] =	vst v0  }
0x48: {  	[tilespmem:s13+$0x18E0] =	vst v0  }
0x49: {  	[tilespmem:s13+$0x18F0] =	vst v0  }
0x4a: {  	[tilespmem:s13+$0x1C80] =	vst v0  }
0x4b: {  	[tilespmem:s13+$0x1C90] =	vst v0  }
0x4c: {  	[tilespmem:s13+$0x1CA0] =	vst v0  }
0x4d: {  	[tilespmem:s13+$0x1CB0] =	vst v0  }
0x4e: {  	[tilespmem:s13+$0x1CC0] =	vst v0  }
0x4f: {  	[tilespmem:s13+$0x1CD0] =	vst v0  }
0x50: {  	[tilespmem:s13+$0x1CE0] =	vst v0  }
0x51: {  	[tilespmem:s13+$0x1CF0] =	vst v0  }
0x52: {  	[tilespmem:s13+$0x2080] =	vst v0  }
0x53: {  	[tilespmem:s13+$0x2090] =	vst v0  }
0x54: {  	[tilespmem:s13+$0x20A0] =	vst v0  }
0x55: {  	[tilespmem:s13+$0x20B0] =	vst v0  }
0x56: {  	[tilespmem:s13+$0x20C0] =	vst v0  }
0x57: {  	[tilespmem:s13+$0x20D0] =	vst v0  }
0x58: {  	[tilespmem:s13+$0x20E0] =	vst v0  }
0x59: {  	[tilespmem:s13+$0x20F0] =	vst v0  }
0x5a: {  	[tilespmem:s13+$0x2480] =	vst v0  }
0x5b: {  	[tilespmem:s13+$0x2490] =	vst v0  }
0x5c: {  	[tilespmem:s13+$0x24A0] =	vst v0  }
0x5d: {  	[tilespmem:s13+$0x24B0] =	vst v0  }
0x5e: {  	[tilespmem:s13+$0x24C0] =	vst v0  }
0x5f: {  	[tilespmem:s13+$0x24D0] =	vst v0  }
0x60: {  	[tilespmem:s13+$0x24E0] =	vst v0  }
0x61: {  	[tilespmem:s13+$0x24F0] =	vst v0  }
0x62: {  	[tilespmem:s13+$0x2880] =	vst v0  }
0x63: {  	[tilespmem:s13+$0x2890] =	vst v0  }
0x64: {  	[tilespmem:s13+$0x28A0] =	vst v0  }
0x65: {  	[tilespmem:s13+$0x28B0] =	vst v0  }
0x66: {  	[tilespmem:s13+$0x28C0] =	vst v0  }
0x67: {  	[tilespmem:s13+$0x28D0] =	vst v0  }
0x68: {  	[tilespmem:s13+$0x28E0] =	vst v0  }
0x69: {  	[tilespmem:s13+$0x28F0] =	vst v0  }
0x6a: {  	[tilespmem:s13+$0x2C80] =	vst v0  }
0x6b: {  	[tilespmem:s13+$0x2C90] =	vst v0  }
0x6c: {  	[tilespmem:s13+$0x2CA0] =	vst v0  }
0x6d: {  	[tilespmem:s13+$0x2CB0] =	vst v0  }
0x6e: {  	[tilespmem:s13+$0x2CC0] =	vst v0  }
0x6f: {  	[tilespmem:s13+$0x2CD0] =	vst v0  }
0x70: {  	[tilespmem:s13+$0x2CE0] =	vst v0  }
0x71: {  	[tilespmem:s13+$0x2CF0] =	vst v0  }
0x72: {  	[tilespmem:s13+$0x3080] =	vst v0  }
0x73: {  	[tilespmem:s13+$0x3090] =	vst v0  }
0x74: {  	[tilespmem:s13+$0x30A0] =	vst v0  }
0x75: {  	[tilespmem:s13+$0x30B0] =	vst v0  }
0x76: {  	[tilespmem:s13+$0x30C0] =	vst v0  }
0x77: {  	[tilespmem:s13+$0x30D0] =	vst v0  }
0x78: {  	[tilespmem:s13+$0x30E0] =	vst v0  }
0x79: {  	[tilespmem:s13+$0x30F0] =	vst v0  }
0x7a: {  	[tilespmem:s13+$0x3480] =	vst v0  }
0x7b: {  	[tilespmem:s13+$0x3490] =	vst v0  }
0x7c: {  	[tilespmem:s13+$0x34A0] =	vst v0  }
0x7d: {  	[tilespmem:s13+$0x34B0] =	vst v0  }
0x7e: {  	s31 =	sand.u32 $0x7, s10;
	[tilespmem:s13+$0x34C0] =	vst v0  }
0x7f: {  	s14 =	sshll.u32 s31, $0x7;
	[tilespmem:s13+$0x34D0] =	vst v0  }
0x80: {  	s14 =	sadd.s32 s14, s11;
	[tilespmem:s13+$0x34E0] =	vst v0  }
0x81: {  	[tilespmem:s13+$0x34F0] =	vst v0;
	s15 =	sor.u32 $0x3800, s14  }
0x82: {  	s16 =	sor.u32 $0x3810, s14;
	[tilespmem:s15+$0x80] =	vst v0  }
0x83: {  	s17 =	sor.u32 $0x3820, s14;
	[tilespmem:s16+$0x80] =	vst v0  }
0x84: {  	s18 =	sor.u32 $0x3830, s14;
	[tilespmem:s17+$0x80] =	vst v0  }
0x85: {  	s19 =	sor.u32 $0x3840, s14;
	[tilespmem:s18+$0x80] =	vst v0  }
0x86: {  	s20 =	sor.u32 $0x3850, s14;
	[tilespmem:s19+$0x80] =	vst v0  }
0x87: {  	s21 =	sor.u32 $0x3860, s14;
	[tilespmem:s20+$0x80] =	vst v0  }
0x88: {  	s22 =	sor.u32 $0x3870, s14;
	[tilespmem:s21+$0x80] =	vst v0  }
0x89: {  	s23 =	sor.u32 $0x3C00, s14;
	[tilespmem:s22+$0x80] =	vst v0  }
0x8a: {  	s24 =	sor.u32 $0x3C10, s14;
	[tilespmem:s23+$0x80] =	vst v0  }
0x8b: {  	s25 =	sor.u32 $0x3C20, s14;
	[tilespmem:s24+$0x80] =	vst v0  }
0x8c: {  	p0 =	sne.s32 s12, $0x780;
	s26 =	sor.u32 $0x3C30, s14;
	[tilespmem:s25+$0x80] =	vst v0  }
.Ltmp0:
0x8d: {  	s28 =	sor.u32 $0x3C40, s14;
	[tilespmem:s26+$0x80] =	vst v0;
	(pc) =	sbr.rel @p0 .LBB2_2-.Ltmp0, $4  }
0x8e: {  	s29 =	sor.u32 $0x3C50, s14;
	[tilespmem:s28+$0x80] =	vst v0  }
0x8f: {  	s30 =	sor.u32 $0x3C60, s14;
	[tilespmem:s29+$0x80] =	vst v0  }
0x90: {  	s10 =	sadd.s32 $0x1, s10;
	s31 =	sor.u32 $0x3C70, s14;
	[tilespmem:s30+$0x80] =	vst v0  }
0x91: {  	s9 =	sadd.s32 $0x800, s9;
	s12 =	sadd.s32 $0x80, s12;
	s11 =	sadd.s32 $0x800, s11;
	[tilespmem:s31+$0x80] =	vst v0  }
0x92: {  	s9 =	simm.s32 $0x0  }
0x93: {  	v2 =	vcvt.s32.f32 v2;
	v3 =	vmov s9  }
0x94: {  	vm0 =	veq.s32 v3, v1  }
0x95: {  	v3 =	vnsel vm0, $0x0, v2  }
0x96: {  	(xrf2) =	vadd.scan.msk.f32 $0xffff, v3;
	_ =	sdelay $0x9  }
0x97: {  	v4, _, _ =	vpop (xrf2)  }
0x98: {  	(v2sf) =	vpush v4, $0xF;
	_ =	sdelay $0x2  }
0x99: {  	s11 =	simm.s32 $0x0  }
0x9a: {  	v3 =	vmov s11  }
0x9b: {  	vm13 =	veq.s32 v3, v1  }
0x9c: {  	v3 =	vnsel vm13, $0x0, v2  }
0x9d: {  	(xrf2) =	vadd.scan.msk.f32 $0xffff, v3;
	_ =	sdelay $0x7  }
0x9e: {  	s26 =	spop (v2sf)  }
0x9f: {  	s9 =	scvt.f32.s32 s26  }
0xa0: {  	s10 =	simm.s32 $0x0;
	v3, _, _ =	vpop (xrf2)  }
0xa1: {  	(v2sf) =	vpush v3, $0xF;
	v3 =	vmov s10;
	s9 =	sadd.s32 $0x1FF, s9  }
0xa2: {  	vm14 =	veq.s32 v3, v1;
	s12 =	sand.u32 $0x1FF, s9  }
0xa3: {  	v3 =	vnsel vm14, $0x0, v2;
	s13 =	sshra.s32 s9, $0x1F;
	p0 =	slt.s32 s9, $0x1;
	p1 =	sne.s32 s12, $0x0  }
0xa4: {  	(xrf2) =	vadd.scan.msk.f32 $0xffff, v3;
	s28 =	sshrl.u32 s13, $0x17;
	p0 =	por !p0, !p1  }
0xa5: {  	s12 =	simm.s32 $0x1;
	s9 =	sadd.s32 s28, s9;
	p0 =	por !p0, !p0  }
0xa6: {  	s9 =	sshra.s32 s9, $0x9;
	s12 =	simm.s32 @!p0 $0x0  }
0xa7: {  	s9 =	ssub.s32 s9, s12  }
0xa8: {  	p0 =	sgt.s32 s9, $0x1  }
0xa9: {  	s9 =	simm.s32 @!p0 $0x1  }
0xaa: {  	s30 =	sshll.u32 s9, $0x9;
	s9 =	simm.s32 $0x0  }
0xab: {  	v3 =	vmov s9;
	_ =	sdelay $0x2  }
0xac: {  	vm15 =	veq.s32 v3, v1;
	v3, _, _ =	vpop (xrf2)  }
0xad: {  	v63 =	vnsel vm15, $0x0, v2;
	(v2sf) =	vpush v3, $0xF  }
0xae: {  	(xrf2) =	vadd.scan.msk.f32 $0xffff, v63  }
0xaf: {  	s29 =	simm.s32 $0x0;
	s14 =	spop (v2sf)  }
0xb0: {  	s12 =	ssub.s32 s6, s29;
	s31 =	scvt.f32.s32 s14  }
0xb1: {  	p0 =	slt.s32 s12, s30  }
0xb2: {  	s15 =	sadd.s32 $0x1FF, s31;
	s13 =	simm.s32 @!p0 $0x0;
	s14 =	simm.s32 @!p0 $0x80  }
0xb3: {  	[hbm4b:s5+s13] =	stream.linear.scatter @!p0 [tilespmem:s14], [sflag:$0x1], $0x8000, $0x38;
	[tilespmem:$0x8080] =	vst v63  }
0xb4: {  	s12 =	smov.u32 s5;
	s14 =	simm.s32 $0x4;
	s13 =	smov.u32 s6  }
.LBB2_4:
0xb5: {  	s16 =	sand.u32 $0x1FF, s15;
	s17 =	smov.u32 s11  }
0xb6: {  	s11 =	smov.u32 s10;
	s10 =	smov.u32 s9;
	s9 =	sshrl.u32 s14, $0x2  }
0xb7: {  	s18 =	sshra.s32 s15, $0x1F;
	p1 =	slt.s32 s15, $0x1;
	v4 =	vmov s9;
	p2 =	sne.s32 s16, $0x0  }
0xb8: {  	s12 =	sadd.s32 $0x20000, s12;
	s16 =	sshrl.u32 s18, $0x17;
	vm0 =	veq.s32 v4, v1;
	v3, _, _ =	vpop (xrf2);
	p1 =	por !p1, !p2  }
0xb9: {  	s15 =	sadd.s32 s16, s15;
	s16 =	simm.s32 $0x1;
	v4 =	vnsel vm0, $0x0, v2;
	(v2sf) =	vpush v3, $0xF;
	p1 =	por !p1, !p1  }
0xba: {  	s13 =	sadd.s32 $0x200, s13;
	s15 =	sshra.s32 s15, $0x9;
	(xrf2) =	vadd.scan.msk.f32 $0xffff, v4;
	s16 =	simm.s32 @!p1 $0x0  }
0xbb: {  	s17 =	sshll.u32 s17, $0xB;
	s15 =	ssub.s32 s15, s16;
	s16 =	simm.s32 @!p0 $0x1  }
0xbc: {  	s14 =	sadd.s32 $0x1, s14;
	s18 =	spop (v2sf);
	p1 =	sgt.s32 s15, $0x1  }
0xbd: {  	_ =	swait.ge @!p0 [sflag:s16], $0x8000;
	s15 =	simm.s32 @!p1 $0x1;
	p1 =	sne.s32 s14, $0x20  }
.Ltmp1:
0xbe: {  	s18 =	scvt.f32.s32 s18;
	[sflag:s16] =	ssyncset.done @!p0 $0x0;
	(pc) =	sbr.rel @p1 .LBB2_4-.Ltmp1, $4  }
0xbf: {  	s17 =	ssub.s32 s13, s17;
	s19 =	sshll.u32 s15, $0x9;
	[sflag:s16] =	ssyncadd.s32 @!p0 $0xFFFF8000  }
0xc0: {  	s15 =	sadd.s32 $0x1FF, s18;
	p0 =	slt.s32 s17, s19  }
0xc1: {  	s16 =	simm.s32 @!p0 $0x0;
	s17 =	simm.s32 @!p0 $0x80  }
0xc2: {  	[hbm4b:s12+s16] =	stream.linear.scatter @!p0 [tilespmem:s17], [sflag:$0x1], $0x8000, $0x38;
	[tilespmem:$0x8080] =	vst v63  }
0xc3: {  	s14 =	sand.u32 $0x1FF, s15  }
0xc4: {  	s16 =	sshra.s32 s15, $0x1F;
	p1 =	slt.s32 s15, $0x1;
	p2 =	sne.s32 s14, $0x0;
	v2, _, _ =	vpop (xrf2)  }
0xc5: {  	s19 =	sshrl.u32 s16, $0x17;
	p1 =	por !p1, !p2;
	(v2sf) =	vpush v2, $0xF  }
0xc6: {  	s14 =	sadd.s32 s19, s15;
	s15 =	simm.s32 $0x1;
	p1 =	por !p1, !p1  }
0xc7: {  	s13 =	sadd.s32 $0x200, s13;
	s14 =	sshra.s32 s14, $0x9;
	s15 =	simm.s32 @!p1 $0x0  }
0xc8: {  	s11 =	sshll.u32 s11, $0xB;
	s12 =	sadd.s32 $0x20000, s12;
	s14 =	ssub.s32 s14, s15  }
0xc9: {  	s15 =	simm.s32 @!p0 $0x1;
	s20 =	spop (v2sf);
	p1 =	sgt.s32 s14, $0x1  }
0xca: {  	_ =	swait.ge @!p0 [sflag:s15], $0x8000;
	s16 =	scvt.f32.s32 s20;
	s14 =	simm.s32 @!p1 $0x1  }
0xcb: {  	s11 =	ssub.s32 s13, s11;
	[sflag:s15] =	ssyncset.done @!p0 $0x0;
	s14 =	sshll.u32 s14, $0x9  }
0xcc: {  	[sflag:s15] =	ssyncadd.s32 @!p0 $0xFFFF8000;
	s21 =	sadd.s32 $0x1FF, s16;
	p0 =	slt.s32 s11, s14  }
0xcd: {  	s22 =	sand.u32 $0x1FF, s21;
	s23 =	sshra.s32 s21, $0x1F;
	p3 =	slt.s32 s21, $0x1  }
0xce: {  	s14 =	simm.s32 @!p0 $0x0;
	s15 =	simm.s32 @!p0 $0x80;
	p4 =	sne.s32 s22, $0x0  }
0xcf: {  	[hbm4b:s12+s14] =	stream.linear.scatter @!p0 [tilespmem:s15], [sflag:$0x1], $0x8000, $0x38;
	[tilespmem:$0x8080] =	vst v63  }
0xd0: {  	s10 =	sshll.u32 s10, $0xB;
	s24 =	sshrl.u32 s23, $0x17;
	p1 =	por !p3, !p4  }
0xd1: {  	s11 =	sadd.s32 s24, s21;
	s14 =	simm.s32 $0x1;
	p1 =	por !p1, !p1  }
0xd2: {  	s13 =	sadd.s32 $0x200, s13;
	s11 =	sshra.s32 s11, $0x9;
	s14 =	simm.s32 @!p1 $0x0  }
0xd3: {  	s10 =	ssub.s32 s13, s10;
	s11 =	ssub.s32 s11, s14  }
0xd4: {  	s14 =	simm.s32 @!p0 $0x1;
	p1 =	sgt.s32 s11, $0x1;
	s25 =	spop (v2sf)  }
0xd5: {  	s11 =	simm.s32 @!p1 $0x1;
	_ =	swait.ge @!p0 [sflag:s14], $0x8000;
	s15 =	scvt.f32.s32 s25  }
0xd6: {  	s12 =	sadd.s32 $0x20000, s12;
	s11 =	sshll.u32 s11, $0x9;
	[sflag:s14] =	ssyncset.done @!p0 $0x0  }
0xd7: {  	[sflag:s14] =	ssyncadd.s32 @!p0 $0xFFFF8000;
	p0 =	slt.s32 s10, s11;
	s26 =	sadd.s32 $0x1FF, s15  }
0xd8: {  	s11 =	simm.s32 @!p0 $0x0;
	s14 =	simm.s32 @!p0 $0x80;
	s28 =	sand.u32 $0x1FF, s26  }
0xd9: {  	[hbm4b:s12+s11] =	stream.linear.scatter @!p0 [tilespmem:s14], [sflag:$0x1], $0x8000, $0x38;
	[tilespmem:$0x8080] =	vst v63  }
0xda: {  	s29 =	sshra.s32 s26, $0x1F;
	p5 =	slt.s32 s26, $0x1;
	p6 =	sne.s32 s28, $0x0  }
0xdb: {  	s30 =	sshrl.u32 s29, $0x17;
	p1 =	por !p5, !p6  }
0xdc: {  	s11 =	simm.s32 $0x1;
	s10 =	sadd.s32 s30, s26;
	p1 =	por !p1, !p1  }
0xdd: {  	s10 =	sshra.s32 s10, $0x9;
	s11 =	simm.s32 @!p1 $0x0  }
0xde: {  	s9 =	sshll.u32 s9, $0xB;
	s10 =	ssub.s32 s10, s11  }
0xdf: {  	s31 =	sadd.s32 $0x200, s13;
	s13 =	simm.s32 @!p0 $0x1;
	p1 =	sgt.s32 s10, $0x1  }
0xe0: {  	s8 =	sadd.s32 $0x1, s8;
	_ =	swait.ge @!p0 [sflag:s13], $0x8000;
	s10 =	simm.s32 @!p1 $0x1  }
0xe1: {  	s9 =	ssub.s32 s31, s9;
	[sflag:s13] =	ssyncset.done @!p0 $0x0;
	s10 =	sshll.u32 s10, $0x9  }
0xe2: {  	[sflag:s13] =	ssyncadd.s32 @!p0 $0xFFFF8000;
	p0 =	sne.s32 s8, s4;
	p1 =	slt.s32 s9, s10  }
0xe3: {  	s11 =	sadd.s32 $0x20000, s12;
	s9 =	simm.s32 @!p1 $0x0;
	s10 =	simm.s32 @!p1 $0x80  }
0xe4: {  	[hbm4b:s11+s9] =	stream.linear.scatter @!p1 [tilespmem:s10], [sflag:$0x1], $0x8000, $0x38;
	[tilespmem:$0x8080] =	vst v63  }
.Ltmp2:
0xe5: {  	_ = 	snop;
	(pc) =	sbr.rel @p0 .LBB2_1-.Ltmp2, $4  }
0xe6: {  	s9 =	simm.s32 @!p1 $0x1  }
0xe7: {  	_ =	swait.ge @!p1 [sflag:s9], $0x8000  }
0xe8: {  	[sflag:s9] =	ssyncset.done @!p1 $0x0  }
0xe9: {  	[sflag:s9] =	ssyncadd.s32 @!p1 $0xFFFF8000  }
0xea: {  	_ =	sfence.sel $0x180000  }
0xeb: {  	[bflag:$0x0] =	sbarrier.arrive $0xFFFF  }
0xec: {  	p0 =	sne.s32 s2, $0x0;
	_ =	strace $0x90000047  }
0xed: {  	s0 =	sadd.s32 @!p0 $0x100000, s0;
	[bflag:$0x2] =	sbarrier.arrive $0xFFFF  }
0xee: {  	[sflag:s0] =	ssyncadd.tile.s32 @!p0 $0x1;
	_ =	shalt  }
.Lfunc_end2:
_tile_overlayer_lowered:
.L_overlay_start_2:
0xef: {  	(tag) =	ssettag $0x2  }
0xf0: {  	s0 =	rddreg [dreg:$0x0];
	s2 =	stileid.u32  }
0xf1: {  	s1 =	rddreg [dreg:$0x1];
	p0 =	sne.s32 s2, $0x0  }
0xf2: {  	s3 =	rddreg [dreg:$0x2];
	[bflag:$0x3] =	sbarrier.arrive $0xFFFF;
	s2 =	simm.s32 @!p0 $0x1C01  }
0xf3: {  	[timem:s3], [sflag:s2] =	dma.local @!p0 [hbm:s0], s1  }
0xf4: {  	s0 =	simm.s32 @!p0 $0x1  }
0xf5: {  	_ =	swait.ge @!p0 [sflag:s0], s1  }
0xf6: {  	s1 =	ssub.s32 @!p0 $0x0, s1;
	[sflag:s0] =	ssyncset.done @!p0 $0x0  }
0xf7: {  	[sflag:s0] =	ssyncadd.s32 @!p0 s1  }
0xf8: {  	[bflag:$0x3] =	sbarrier.arrive $0xFFFF  }
0xf9: {  	_ =	shalt  }

</sc_bundles>
